<compile_context>
chip_gen: v7x
topology: tpu7x:2x2x1
jax: 0.10.2.dev20260603
libtpu: 0.0.44.dev20260713+nightly
codegen_flags: <defaults>
</compile_context>

<pallas_src>
import functools

import jax
import jax.numpy as jnp
from jax import lax
from jax.experimental import pallas as pl
from jax.experimental.pallas import tpu as pltpu
from jax.experimental.pallas import tpu_sc as plsc

B, L, D, K = 1024, 200, 128, 16
LP = 256
_NSPLIT = 1
_NB = B // _NSPLIT


_ROWS = 32


def _dense_body(m1_ref, m2f_ref, cos_ref, invs_ref):
    m1 = m1_ref[...]
    m2 = m2f_ref[...].reshape(_ROWS, L, D)
    t = jnp.sqrt(jnp.sum(m1 * m1, axis=-1, keepdims=True))
    invt = 1.0 / jnp.maximum(t, 1e-12)
    n1 = jnp.maximum(t * invt, 1e-8)
    m1s = m1 * (invt / n1)
    s2 = jnp.sum(m2 * m2, axis=-1)
    dot = jnp.sum(m2 * m1s[:, None, :], axis=-1)
    s = jnp.sqrt(s2)
    invs = 1.0 / jnp.maximum(s, 1e-12)
    n2 = jnp.maximum(s * invs, 1e-8)
    pad = jnp.zeros((_ROWS, LP - L), jnp.float32)
    cos_ref[...] = jnp.concatenate([dot * (invs / n2), pad], axis=1)
    invs_ref[...] = jnp.concatenate([invs, pad], axis=1)


def _dense_pass(modal1, m2flat, row_off):
    blk_off = row_off // _ROWS
    return pl.pallas_call(
        _dense_body,
        grid=(_NB // _ROWS,),
        in_specs=[
            pl.BlockSpec((_ROWS, D), lambda i: (i + blk_off, 0)),
            pl.BlockSpec((_ROWS * L, D), lambda i: (i + blk_off, 0)),
        ],
        out_specs=[
            pl.BlockSpec((_ROWS, LP), lambda i: (i, 0)),
            pl.BlockSpec((_ROWS, LP), lambda i: (i, 0)),
        ],
        out_shape=[
            jax.ShapeDtypeStruct((_NB, LP), jnp.float32),
            jax.ShapeDtypeStruct((_NB, LP), jnp.float32),
        ],
    )(modal1, m2flat)



_NC, _NS, _LANES = 2, 16, 16
_NW = _NC * _NS
_RPW = _NB // _NW
_NCHUNK = (L + _LANES - 1) // _LANES


def _make_sc_body(row_off):
    def _sc_body(cos_hbm, invs_hbm, w_hbm, m2f_hbm, out_hbm,
                 cos_v, invs_v, w_v, coef_v, rows_v, out_v, sem):
        wid = lax.axis_index("s") * _NC + lax.axis_index("c")
        base = wid * _RPW
        lane = lax.iota(jnp.int32, _LANES)
        neg = jnp.float32(-jnp.inf)

        pltpu.sync_copy(cos_hbm.at[pl.ds(base * LP, _RPW * LP)], cos_v)
        pltpu.sync_copy(invs_hbm.at[pl.ds(base * LP, _RPW * LP)], invs_v)
        pltpu.sync_copy(w_hbm.at[pl.ds(row_off + base, _RPW)], w_v)

        def topk_row(r, _):
            top_v = top_i = None
            for c in range(_NCHUNK):
                off = c * _LANES
                v = cos_v[pl.ds(r * LP + off, _LANES)]
                idx = lane + off
                if off + _LANES > L:
                    v = jnp.where(lane < (L - off), v, neg)
                if c == 0:
                    top_v, top_i = plsc.sort_key_val(v, idx, descending=True)
                else:
                    sv, si = plsc.sort_key_val(v, idx, descending=False)
                    keep = top_v >= sv
                    mv = jnp.where(keep, top_v, sv)
                    mi = jnp.where(keep, top_i, si)
                    top_v, top_i = plsc.sort_key_val(mv, mi, descending=True)

            w = w_v[r, :]
            e = jnp.exp(w - jnp.max(w))
            p = e / jnp.sum(e)

            inv = plsc.load_gather(invs_v, [r * LP + top_i])
            coef_v[r, :] = p * inv

            gidx = (row_off + base + r) * L + top_i
            pltpu.async_copy(m2f_hbm.at[gidx], rows_v.at[pl.ds(r * K, K)], sem)
            return _

        lax.fori_loop(0, _RPW, topk_row, None)

        pltpu.make_async_copy(m2f_hbm.at[pl.ds(0, _RPW * K)], rows_v, sem).wait()

        def wsum_row(r, _):
            rvec = jnp.broadcast_to(r, (_LANES,)).astype(jnp.int32)
            accs = [jnp.zeros((_LANES,), jnp.float32)
                    for _ in range(D // _LANES)]
            for k in range(K):
                kvec = jnp.full((_LANES,), k, jnp.int32)
                ck = plsc.load_gather(coef_v, [rvec, kvec])
                for j in range(D // _LANES):
                    accs[j] = accs[j] + ck * rows_v[r * K + k,
                                                   pl.ds(j * _LANES, _LANES)]
            for j in range(D // _LANES):
                out_v[r, pl.ds(j * _LANES, _LANES)] = accs[j]
            return _

        lax.fori_loop(0, _RPW, wsum_row, None)

        pltpu.sync_copy(out_v, out_hbm.at[pl.ds(base, _RPW)])

    return _sc_body


@functools.cache
def _sc_retrieval(row_off):
    return pl.kernel(
        _make_sc_body(row_off),
        out_type=jax.ShapeDtypeStruct((_NB, D), jnp.float32),
        mesh=plsc.VectorSubcoreMesh(
            core_axis_name="c", subcore_axis_name="s",
            num_cores=_NC, num_subcores=_NS,
        ),
        scratch_types=[
            pltpu.VMEM((_RPW * LP,), jnp.float32),
            pltpu.VMEM((_RPW * LP,), jnp.float32),
            pltpu.VMEM((_RPW, K), jnp.float32),
            pltpu.VMEM((_RPW, K), jnp.float32),
            pltpu.VMEM((_RPW * K, D), jnp.float32),
            pltpu.VMEM((_RPW, D), jnp.float32),
            pltpu.SemaphoreType.DMA,
        ],
        compiler_params=pltpu.CompilerParams(needs_layout_passes=False),
    )


@jax.jit
def kernel(modal1, modal2, weights):
    m2flat = modal2.reshape(B * L, D)
    dense = [_dense_pass(modal1, m2flat, h * _NB) for h in range(_NSPLIT)]
    parts = [
        _sc_retrieval(h * _NB)(cos.reshape(_NB * LP), invs.reshape(_NB * LP),
                               weights, m2flat)
        for h, (cos, invs) in enumerate(dense)
    ]
    if _NSPLIT == 1:
        return parts[0]
    return jnp.concatenate(parts, axis=0)

# --- scband reference (transcript-rebuilt; emitter-appended) ---
"""Pipeline reference for scband-topk-search-rank-11381663334689 (READ-ONLY COPY).

The authoritative reference and input builder live on the scoring server;
editing this copy changes nothing except your own understanding.
"""

import jax, jax.numpy as jnp
import numpy as np

B, L, D, K = 1024, 200, 128, 16


def _l2_normalize(x, eps=1e-12):
    # matches torch F.normalize(dim=-1): x / max(||x||_2, eps)
    n = jnp.sqrt(jnp.sum(x * x, axis=-1, keepdims=True))
    return x / jnp.maximum(n, eps)


def setup_inputs(seed: int = 0) -> dict:
    key = jax.random.key(seed)
    k1, k2, k3 = jax.random.split(key, 3)
    modal1 = jax.random.normal(k1, (B, D), dtype=jnp.float32)
    modal2 = jax.random.normal(k2, (B, L, D), dtype=jnp.float32)
    # 'weights' is created inside torch forward via torch.randn(B, K);
    # we materialize it here as an explicit parameter for determinism.
    weights = jax.random.normal(k3, (B, K), dtype=jnp.float32)
    return {"modal1": modal1, "modal2": modal2, "weights": weights}


def reference(modal1, modal2, weights):
    m1 = _l2_normalize(modal1)
    m2 = _l2_normalize(modal2)
    # expand modal1 to [B, L, D]
    m1e = jnp.broadcast_to(m1[:, None, :], (B, L, D))
    # torch F.cosine_similarity(dim=2, eps=1e-8)
    eps = 1e-8
    n1 = jnp.maximum(jnp.sqrt(jnp.sum(m1e * m1e, axis=2)), eps)
    n2 = jnp.maximum(jnp.sqrt(jnp.sum(m2 * m2, axis=2)), eps)
    cos_sim = jnp.sum(m1e * m2, axis=2) / (n1 * n2)  # [B, L]
    topk_values, topk_indices = jax.lax.top_k(cos_sim, K)  # [B, K]
    # gather selected candidate vectors: [B, K, D]
    selected_vectors = jnp.take_along_axis(m2, topk_indices[:, :, None], axis=1)
    weights_softmaxed = jax.nn.softmax(weights, axis=1)  # [B, K]
    weighted_sum = jnp.sum(selected_vectors * weights_softmaxed[:, :, None], axis=1)  # [B, D]
    return weighted_sum

if __name__ == "__main__":
    import jax
    _d = setup_inputs()
    print(jax.jit(kernel)(*tuple(_d.values())))

</pallas_src>

<mosaic_0001>
#map = affine_map<(d0, d1) -> (0)>
#map1 = affine_map<(d0, d1) -> (0, 0)>
module attributes {stable_mosaic.version = 14 : i64} {
  func.func @_sc_body(%arg0: i32, %arg1: i32, %arg2: memref<262144xf32, #tpu.memory_space<hbm>>, %arg3: memref<262144xf32, #tpu.memory_space<hbm>>, %arg4: memref<1024x16xf32, #tpu.memory_space<hbm>>, %arg5: memref<204800x128xf32, #tpu.memory_space<hbm>>, %arg6: memref<1024x128xf32, #tpu.memory_space<hbm>>, %arg7: memref<8192xf32, #tpu.memory_space<vmem>>, %arg8: memref<8192xf32, #tpu.memory_space<vmem>>, %arg9: memref<32x16xf32, #tpu.memory_space<vmem>>, %arg10: memref<32x16xf32, #tpu.memory_space<vmem>>, %arg11: memref<512x128xf32, #tpu.memory_space<vmem>>, %arg12: memref<32x128xf32, #tpu.memory_space<vmem>>, %arg13: memref<!tpu.dma_semaphore, #tpu.memory_space<semaphore_mem>>) attributes {dimension_semantics = [#tpu.dimension_semantics<core_parallel>, #tpu.dimension_semantics<subcore_parallel>], iteration_bounds = array<i64: 2, 16>, scalar_prefetch = 0 : i64, scratch_operands = 7 : i64, tpu.core_type = #tpu.core_type<sc_vector_subcore>, window_params = [{transform_indices = #map}, {transform_indices = #map}, {transform_indices = #map1}, {transform_indices = #map1}, {transform_indices = #map1}]} {
    %mul3A = arith.constant 2 : i32
    %mul3A_0 = arith.muli %arg1, %mul3A : i32
    %add3A = arith.addi %mul3A_0, %arg0 : i32
    %mul3A_1 = arith.constant 32 : i32
    %mul3A_2 = arith.muli %add3A, %mul3A_1 : i32
    %iota3A = tpu.iota {dimensions = array<i32: 0>} : vector<16xi32>
    %mul3A_3 = arith.constant 256 : i32
    %mul3A_4 = arith.muli %mul3A_2, %mul3A_3 : i32
    "tpu.region"() ({
      %run_scoped3A = tpu.sem_alloc : memref<!tpu.dma_semaphore, #tpu.memory_space<semaphore_mem>>
      %dma_start3A = tpu.memref_slice %arg2[%mul3A_4] : memref<262144xf32, #tpu.memory_space<hbm>> -> memref<8192xf32, #tpu.memory_space<hbm>>
      %dma_start3A_24 = tpu.memref_slice %arg2[%mul3A_4] : memref<262144xf32, #tpu.memory_space<hbm>> -> memref<8192xf32, #tpu.memory_space<hbm>>
      tpu.enqueue_dma source(%dma_start3A_24 : memref<8192xf32, #tpu.memory_space<hbm>>) target(%arg7 : memref<8192xf32, #tpu.memory_space<vmem>>) target_semaphore(%run_scoped3A : memref<!tpu.dma_semaphore, #tpu.memory_space<semaphore_mem>>)
      %dma_wait3A_25 = tpu.memref_slice %arg2[%mul3A_4] : memref<262144xf32, #tpu.memory_space<hbm>> -> memref<8192xf32, #tpu.memory_space<hbm>>
      %dma_wait3A_26 = tpu.memref_slice %arg2[%mul3A_4] : memref<262144xf32, #tpu.memory_space<hbm>> -> memref<8192xf32, #tpu.memory_space<hbm>>
      tpu.wait_dma2 semaphore(%run_scoped3A : memref<!tpu.dma_semaphore, #tpu.memory_space<semaphore_mem>>) src(%dma_wait3A_26 : memref<8192xf32, #tpu.memory_space<hbm>>) dst(%arg7 : memref<8192xf32, #tpu.memory_space<vmem>>)
      tpu.yield
    }) : () -> ()
    %mul3A_5 = arith.constant 256 : i32
    %mul3A_6 = arith.muli %mul3A_2, %mul3A_5 : i32
    "tpu.region"() ({
      %run_scoped3A = tpu.sem_alloc : memref<!tpu.dma_semaphore, #tpu.memory_space<semaphore_mem>>
      %dma_start3A = tpu.memref_slice %arg3[%mul3A_6] : memref<262144xf32, #tpu.memory_space<hbm>> -> memref<8192xf32, #tpu.memory_space<hbm>>
      %dma_start3A_24 = tpu.memref_slice %arg3[%mul3A_6] : memref<262144xf32, #tpu.memory_space<hbm>> -> memref<8192xf32, #tpu.memory_space<hbm>>
      tpu.enqueue_dma source(%dma_start3A_24 : memref<8192xf32, #tpu.memory_space<hbm>>) target(%arg8 : memref<8192xf32, #tpu.memory_space<vmem>>) target_semaphore(%run_scoped3A : memref<!tpu.dma_semaphore, #tpu.memory_space<semaphore_mem>>)
      %dma_wait3A_25 = tpu.memref_slice %arg3[%mul3A_6] : memref<262144xf32, #tpu.memory_space<hbm>> -> memref<8192xf32, #tpu.memory_space<hbm>>
      %dma_wait3A_26 = tpu.memref_slice %arg3[%mul3A_6] : memref<262144xf32, #tpu.memory_space<hbm>> -> memref<8192xf32, #tpu.memory_space<hbm>>
      tpu.wait_dma2 semaphore(%run_scoped3A : memref<!tpu.dma_semaphore, #tpu.memory_space<semaphore_mem>>) src(%dma_wait3A_26 : memref<8192xf32, #tpu.memory_space<hbm>>) dst(%arg8 : memref<8192xf32, #tpu.memory_space<vmem>>)
      tpu.yield
    }) : () -> ()
    %add3A_7 = arith.constant 0 : i32
    %add3A_8 = arith.addi %add3A_7, %mul3A_2 : i32
    "tpu.region"() ({
      %run_scoped3A = tpu.sem_alloc : memref<!tpu.dma_semaphore, #tpu.memory_space<semaphore_mem>>
      %dma_start3A = arith.constant 0 : i32
      %dma_start3A_24 = tpu.memref_slice %arg4[%add3A_8, %dma_start3A] : memref<1024x16xf32, #tpu.memory_space<hbm>> -> memref<32x16xf32, #tpu.memory_space<hbm>>
      %dma_start3A_25 = arith.constant 0 : i32
      %dma_start3A_26 = tpu.memref_slice %arg4[%add3A_8, %dma_start3A_25] : memref<1024x16xf32, #tpu.memory_space<hbm>> -> memref<32x16xf32, #tpu.memory_space<hbm>>
      tpu.enqueue_dma source(%dma_start3A_26 : memref<32x16xf32, #tpu.memory_space<hbm>>) target(%arg9 : memref<32x16xf32, #tpu.memory_space<vmem>>) target_semaphore(%run_scoped3A : memref<!tpu.dma_semaphore, #tpu.memory_space<semaphore_mem>>)
      %dma_wait3A_27 = arith.constant 0 : i32
      %dma_wait3A_28 = tpu.memref_slice %arg4[%add3A_8, %dma_wait3A_27] : memref<1024x16xf32, #tpu.memory_space<hbm>> -> memref<32x16xf32, #tpu.memory_space<hbm>>
      %dma_wait3A_29 = arith.constant 0 : i32
      %dma_wait3A_30 = tpu.memref_slice %arg4[%add3A_8, %dma_wait3A_29] : memref<1024x16xf32, #tpu.memory_space<hbm>> -> memref<32x16xf32, #tpu.memory_space<hbm>>
      tpu.wait_dma2 semaphore(%run_scoped3A : memref<!tpu.dma_semaphore, #tpu.memory_space<semaphore_mem>>) src(%dma_wait3A_30 : memref<32x16xf32, #tpu.memory_space<hbm>>) dst(%arg9 : memref<32x16xf32, #tpu.memory_space<vmem>>)
      tpu.yield
    }) : () -> ()
    %scan3A = arith.constant 0xFF800000 : f32
    %scan3A_9 = arith.constant 0 : i32
    %scan3A_10 = arith.constant 32 : i32
    %scan3A_11 = arith.addi %scan3A_9, %scan3A_10 : i32
    %scan3A_12 = arith.constant 1 : i32
    scf.for %scan3A_24 = %scan3A_9 to %scan3A_11 step %scan3A_12  : i32 {
      %mul3A_25 = arith.constant 256 : i32
      %mul3A_26 = arith.muli %scan3A_24, %mul3A_25 : i32
      %add3A_27 = arith.constant 0 : i32
      %add3A_28 = arith.addi %mul3A_26, %add3A_27 : i32
      %get3A = arith.index_cast %add3A_28 : i32 to index
      %get3A_29 = tpu.vector_load %arg7[%get3A] {strides = array<i32>} : memref<8192xf32, #tpu.memory_space<vmem>>, vector<16xf32>,
      %add3A_30 = arith.constant 0 : i32
      %add3A_31 = vector.broadcast %add3A_30 : i32 to vector<16xi32>
      %add3A_32 = arith.addi %iota3A, %add3A_31 : vector<16xi32>
      %masked_sort3A = arith.constant dense<true> : vector<16xi1>
      %masked_sort3A_33, %masked_sort3A_34, %masked_sort3A_35 = tpu.sort %get3A_29, %add3A_32 masked %masked_sort3A {descending = true} : (vector<16xf32>, vector<16xi32>, vector<16xi1>) -> (vector<16xi1>, vector<16xf32>, vector<16xi32>)
      %mul3A_36 = arith.constant 256 : i32
      %mul3A_37 = arith.muli %scan3A_24, %mul3A_36 : i32
      %add3A_38 = arith.constant 16 : i32
      %add3A_39 = arith.addi %mul3A_37, %add3A_38 : i32
      %get3A_40 = arith.index_cast %add3A_39 : i32 to index
      %get3A_41 = tpu.vector_load %arg7[%get3A_40] {strides = array<i32>} : memref<8192xf32, #tpu.memory_space<vmem>>, vector<16xf32>,
      %add3A_42 = arith.constant 16 : i32
      %add3A_43 = vector.broadcast %add3A_42 : i32 to vector<16xi32>
      %add3A_44 = arith.addi %iota3A, %add3A_43 : vector<16xi32>
      %masked_sort3A_45 = arith.constant dense<true> : vector<16xi1>
      %masked_sort3A_46, %masked_sort3A_47, %masked_sort3A_48 = tpu.sort %get3A_41, %add3A_44 masked %masked_sort3A_45 : (vector<16xf32>, vector<16xi32>, vector<16xi1>) -> (vector<16xi1>, vector<16xf32>, vector<16xi32>)
      %ge3A = arith.cmpf oge, %masked_sort3A_34, %masked_sort3A_47 : vector<16xf32>
      %select_n3A = arith.select %ge3A, %masked_sort3A_34, %masked_sort3A_47 : vector<16xi1>, vector<16xf32>
      %select_n3A_49 = arith.select %ge3A, %masked_sort3A_35, %masked_sort3A_48 : vector<16xi1>, vector<16xi32>
      %masked_sort3A_50 = arith.constant dense<true> : vector<16xi1>
      %masked_sort3A_51, %masked_sort3A_52, %masked_sort3A_53 = tpu.sort %select_n3A, %select_n3A_49 masked %masked_sort3A_50 {descending = true} : (vector<16xf32>, vector<16xi32>, vector<16xi1>) -> (vector<16xi1>, vector<16xf32>, vector<16xi32>)
      %mul3A_54 = arith.constant 256 : i32
      %mul3A_55 = arith.muli %scan3A_24, %mul3A_54 : i32
      %add3A_56 = arith.constant 32 : i32
      %add3A_57 = arith.addi %mul3A_55, %add3A_56 : i32
      %get3A_58 = arith.index_cast %add3A_57 : i32 to index
      %get3A_59 = tpu.vector_load %arg7[%get3A_58] {strides = array<i32>} : memref<8192xf32, #tpu.memory_space<vmem>>, vector<16xf32>,
      %add3A_60 = arith.constant 32 : i32
      %add3A_61 = vector.broadcast %add3A_60 : i32 to vector<16xi32>
      %add3A_62 = arith.addi %iota3A, %add3A_61 : vector<16xi32>
      %masked_sort3A_63 = arith.constant dense<true> : vector<16xi1>
      %masked_sort3A_64, %masked_sort3A_65, %masked_sort3A_66 = tpu.sort %get3A_59, %add3A_62 masked %masked_sort3A_63 : (vector<16xf32>, vector<16xi32>, vector<16xi1>) -> (vector<16xi1>, vector<16xf32>, vector<16xi32>)
      %ge3A_67 = arith.cmpf oge, %masked_sort3A_52, %masked_sort3A_65 : vector<16xf32>
      %select_n3A_68 = arith.select %ge3A_67, %masked_sort3A_52, %masked_sort3A_65 : vector<16xi1>, vector<16xf32>
      %select_n3A_69 = arith.select %ge3A_67, %masked_sort3A_53, %masked_sort3A_66 : vector<16xi1>, vector<16xi32>
      %masked_sort3A_70 = arith.constant dense<true> : vector<16xi1>
      %masked_sort3A_71, %masked_sort3A_72, %masked_sort3A_73 = tpu.sort %select_n3A_68, %select_n3A_69 masked %masked_sort3A_70 {descending = true} : (vector<16xf32>, vector<16xi32>, vector<16xi1>) -> (vector<16xi1>, vector<16xf32>, vector<16xi32>)
      %mul3A_74 = arith.constant 256 : i32
      %mul3A_75 = arith.muli %scan3A_24, %mul3A_74 : i32
      %add3A_76 = arith.constant 48 : i32
      %add3A_77 = arith.addi %mul3A_75, %add3A_76 : i32
      %get3A_78 = arith.index_cast %add3A_77 : i32 to index
      %get3A_79 = tpu.vector_load %arg7[%get3A_78] {strides = array<i32>} : memref<8192xf32, #tpu.memory_space<vmem>>, vector<16xf32>,
      %add3A_80 = arith.constant 48 : i32
      %add3A_81 = vector.broadcast %add3A_80 : i32 to vector<16xi32>
      %add3A_82 = arith.addi %iota3A, %add3A_81 : vector<16xi32>
      %masked_sort3A_83 = arith.constant dense<true> : vector<16xi1>
      %masked_sort3A_84, %masked_sort3A_85, %masked_sort3A_86 = tpu.sort %get3A_79, %add3A_82 masked %masked_sort3A_83 : (vector<16xf32>, vector<16xi32>, vector<16xi1>) -> (vector<16xi1>, vector<16xf32>, vector<16xi32>)
      %ge3A_87 = arith.cmpf oge, %masked_sort3A_72, %masked_sort3A_85 : vector<16xf32>
      %select_n3A_88 = arith.select %ge3A_87, %masked_sort3A_72, %masked_sort3A_85 : vector<16xi1>, vector<16xf32>
      %select_n3A_89 = arith.select %ge3A_87, %masked_sort3A_73, %masked_sort3A_86 : vector<16xi1>, vector<16xi32>
      %masked_sort3A_90 = arith.constant dense<true> : vector<16xi1>
      %masked_sort3A_91, %masked_sort3A_92, %masked_sort3A_93 = tpu.sort %select_n3A_88, %select_n3A_89 masked %masked_sort3A_90 {descending = true} : (vector<16xf32>, vector<16xi32>, vector<16xi1>) -> (vector<16xi1>, vector<16xf32>, vector<16xi32>)
      %mul3A_94 = arith.constant 256 : i32
      %mul3A_95 = arith.muli %scan3A_24, %mul3A_94 : i32
      %add3A_96 = arith.constant 64 : i32
      %add3A_97 = arith.addi %mul3A_95, %add3A_96 : i32
      %get3A_98 = arith.index_cast %add3A_97 : i32 to index
      %get3A_99 = tpu.vector_load %arg7[%get3A_98] {strides = array<i32>} : memref<8192xf32, #tpu.memory_space<vmem>>, vector<16xf32>,
      %add3A_100 = arith.constant 64 : i32
      %add3A_101 = vector.broadcast %add3A_100 : i32 to vector<16xi32>
      %add3A_102 = arith.addi %iota3A, %add3A_101 : vector<16xi32>
      %masked_sort3A_103 = arith.constant dense<true> : vector<16xi1>
      %masked_sort3A_104, %masked_sort3A_105, %masked_sort3A_106 = tpu.sort %get3A_99, %add3A_102 masked %masked_sort3A_103 : (vector<16xf32>, vector<16xi32>, vector<16xi1>) -> (vector<16xi1>, vector<16xf32>, vector<16xi32>)
      %ge3A_107 = arith.cmpf oge, %masked_sort3A_92, %masked_sort3A_105 : vector<16xf32>
      %select_n3A_108 = arith.select %ge3A_107, %masked_sort3A_92, %masked_sort3A_105 : vector<16xi1>, vector<16xf32>
      %select_n3A_109 = arith.select %ge3A_107, %masked_sort3A_93, %masked_sort3A_106 : vector<16xi1>, vector<16xi32>
      %masked_sort3A_110 = arith.constant dense<true> : vector<16xi1>
      %masked_sort3A_111, %masked_sort3A_112, %masked_sort3A_113 = tpu.sort %select_n3A_108, %select_n3A_109 masked %masked_sort3A_110 {descending = true} : (vector<16xf32>, vector<16xi32>, vector<16xi1>) -> (vector<16xi1>, vector<16xf32>, vector<16xi32>)
      %mul3A_114 = arith.constant 256 : i32
      %mul3A_115 = arith.muli %scan3A_24, %mul3A_114 : i32
      %add3A_116 = arith.constant 80 : i32
      %add3A_117 = arith.addi %mul3A_115, %add3A_116 : i32
      %get3A_118 = arith.index_cast %add3A_117 : i32 to index
      %get3A_119 = tpu.vector_load %arg7[%get3A_118] {strides = array<i32>} : memref<8192xf32, #tpu.memory_space<vmem>>, vector<16xf32>,
      %add3A_120 = arith.constant 80 : i32
      %add3A_121 = vector.broadcast %add3A_120 : i32 to vector<16xi32>
      %add3A_122 = arith.addi %iota3A, %add3A_121 : vector<16xi32>
      %masked_sort3A_123 = arith.constant dense<true> : vector<16xi1>
      %masked_sort3A_124, %masked_sort3A_125, %masked_sort3A_126 = tpu.sort %get3A_119, %add3A_122 masked %masked_sort3A_123 : (vector<16xf32>, vector<16xi32>, vector<16xi1>) -> (vector<16xi1>, vector<16xf32>, vector<16xi32>)
      %ge3A_127 = arith.cmpf oge, %masked_sort3A_112, %masked_sort3A_125 : vector<16xf32>
      %select_n3A_128 = arith.select %ge3A_127, %masked_sort3A_112, %masked_sort3A_125 : vector<16xi1>, vector<16xf32>
      %select_n3A_129 = arith.select %ge3A_127, %masked_sort3A_113, %masked_sort3A_126 : vector<16xi1>, vector<16xi32>
      %masked_sort3A_130 = arith.constant dense<true> : vector<16xi1>
      %masked_sort3A_131, %masked_sort3A_132, %masked_sort3A_133 = tpu.sort %select_n3A_128, %select_n3A_129 masked %masked_sort3A_130 {descending = true} : (vector<16xf32>, vector<16xi32>, vector<16xi1>) -> (vector<16xi1>, vector<16xf32>, vector<16xi32>)
      %mul3A_134 = arith.constant 256 : i32
      %mul3A_135 = arith.muli %scan3A_24, %mul3A_134 : i32
      %add3A_136 = arith.constant 96 : i32
      %add3A_137 = arith.addi %mul3A_135, %add3A_136 : i32
      %get3A_138 = arith.index_cast %add3A_137 : i32 to index
      %get3A_139 = tpu.vector_load %arg7[%get3A_138] {strides = array<i32>} : memref<8192xf32, #tpu.memory_space<vmem>>, vector<16xf32>,
      %add3A_140 = arith.constant 96 : i32
      %add3A_141 = vector.broadcast %add3A_140 : i32 to vector<16xi32>
      %add3A_142 = arith.addi %iota3A, %add3A_141 : vector<16xi32>
      %masked_sort3A_143 = arith.constant dense<true> : vector<16xi1>
      %masked_sort3A_144, %masked_sort3A_145, %masked_sort3A_146 = tpu.sort %get3A_139, %add3A_142 masked %masked_sort3A_143 : (vector<16xf32>, vector<16xi32>, vector<16xi1>) -> (vector<16xi1>, vector<16xf32>, vector<16xi32>)
      %ge3A_147 = arith.cmpf oge, %masked_sort3A_132, %masked_sort3A_145 : vector<16xf32>
      %select_n3A_148 = arith.select %ge3A_147, %masked_sort3A_132, %masked_sort3A_145 : vector<16xi1>, vector<16xf32>
      %select_n3A_149 = arith.select %ge3A_147, %masked_sort3A_133, %masked_sort3A_146 : vector<16xi1>, vector<16xi32>
      %masked_sort3A_150 = arith.constant dense<true> : vector<16xi1>
      %masked_sort3A_151, %masked_sort3A_152, %masked_sort3A_153 = tpu.sort %select_n3A_148, %select_n3A_149 masked %masked_sort3A_150 {descending = true} : (vector<16xf32>, vector<16xi32>, vector<16xi1>) -> (vector<16xi1>, vector<16xf32>, vector<16xi32>)
      %mul3A_154 = arith.constant 256 : i32
      %mul3A_155 = arith.muli %scan3A_24, %mul3A_154 : i32
      %add3A_156 = arith.constant 112 : i32
      %add3A_157 = arith.addi %mul3A_155, %add3A_156 : i32
      %get3A_158 = arith.index_cast %add3A_157 : i32 to index
      %get3A_159 = tpu.vector_load %arg7[%get3A_158] {strides = array<i32>} : memref<8192xf32, #tpu.memory_space<vmem>>, vector<16xf32>,
      %add3A_160 = arith.constant 112 : i32
      %add3A_161 = vector.broadcast %add3A_160 : i32 to vector<16xi32>
      %add3A_162 = arith.addi %iota3A, %add3A_161 : vector<16xi32>
      %masked_sort3A_163 = arith.constant dense<true> : vector<16xi1>
      %masked_sort3A_164, %masked_sort3A_165, %masked_sort3A_166 = tpu.sort %get3A_159, %add3A_162 masked %masked_sort3A_163 : (vector<16xf32>, vector<16xi32>, vector<16xi1>) -> (vector<16xi1>, vector<16xf32>, vector<16xi32>)
      %ge3A_167 = arith.cmpf oge, %masked_sort3A_152, %masked_sort3A_165 : vector<16xf32>
      %select_n3A_168 = arith.select %ge3A_167, %masked_sort3A_152, %masked_sort3A_165 : vector<16xi1>, vector<16xf32>
      %select_n3A_169 = arith.select %ge3A_167, %masked_sort3A_153, %masked_sort3A_166 : vector<16xi1>, vector<16xi32>
      %masked_sort3A_170 = arith.constant dense<true> : vector<16xi1>
      %masked_sort3A_171, %masked_sort3A_172, %masked_sort3A_173 = tpu.sort %select_n3A_168, %select_n3A_169 masked %masked_sort3A_170 {descending = true} : (vector<16xf32>, vector<16xi32>, vector<16xi1>) -> (vector<16xi1>, vector<16xf32>, vector<16xi32>)
      %mul3A_174 = arith.constant 256 : i32
      %mul3A_175 = arith.muli %scan3A_24, %mul3A_174 : i32
      %add3A_176 = arith.constant 128 : i32
      %add3A_177 = arith.addi %mul3A_175, %add3A_176 : i32
      %get3A_178 = arith.index_cast %add3A_177 : i32 to index
      %get3A_179 = tpu.vector_load %arg7[%get3A_178] {strides = array<i32>} : memref<8192xf32, #tpu.memory_space<vmem>>, vector<16xf32>,
      %add3A_180 = arith.constant 128 : i32
      %add3A_181 = vector.broadcast %add3A_180 : i32 to vector<16xi32>
      %add3A_182 = arith.addi %iota3A, %add3A_181 : vector<16xi32>
      %masked_sort3A_183 = arith.constant dense<true> : vector<16xi1>
      %masked_sort3A_184, %masked_sort3A_185, %masked_sort3A_186 = tpu.sort %get3A_179, %add3A_182 masked %masked_sort3A_183 : (vector<16xf32>, vector<16xi32>, vector<16xi1>) -> (vector<16xi1>, vector<16xf32>, vector<16xi32>)
      %ge3A_187 = arith.cmpf oge, %masked_sort3A_172, %masked_sort3A_185 : vector<16xf32>
      %select_n3A_188 = arith.select %ge3A_187, %masked_sort3A_172, %masked_sort3A_185 : vector<16xi1>, vector<16xf32>
      %select_n3A_189 = arith.select %ge3A_187, %masked_sort3A_173, %masked_sort3A_186 : vector<16xi1>, vector<16xi32>
      %masked_sort3A_190 = arith.constant dense<true> : vector<16xi1>
      %masked_sort3A_191, %masked_sort3A_192, %masked_sort3A_193 = tpu.sort %select_n3A_188, %select_n3A_189 masked %masked_sort3A_190 {descending = true} : (vector<16xf32>, vector<16xi32>, vector<16xi1>) -> (vector<16xi1>, vector<16xf32>, vector<16xi32>)
      %mul3A_194 = arith.constant 256 : i32
      %mul3A_195 = arith.muli %scan3A_24, %mul3A_194 : i32
      %add3A_196 = arith.constant 144 : i32
      %add3A_197 = arith.addi %mul3A_195, %add3A_196 : i32
      %get3A_198 = arith.index_cast %add3A_197 : i32 to index
      %get3A_199 = tpu.vector_load %arg7[%get3A_198] {strides = array<i32>} : memref<8192xf32, #tpu.memory_space<vmem>>, vector<16xf32>,
      %add3A_200 = arith.constant 144 : i32
      %add3A_201 = vector.broadcast %add3A_200 : i32 to vector<16xi32>
      %add3A_202 = arith.addi %iota3A, %add3A_201 : vector<16xi32>
      %masked_sort3A_203 = arith.constant dense<true> : vector<16xi1>
      %masked_sort3A_204, %masked_sort3A_205, %masked_sort3A_206 = tpu.sort %get3A_199, %add3A_202 masked %masked_sort3A_203 : (vector<16xf32>, vector<16xi32>, vector<16xi1>) -> (vector<16xi1>, vector<16xf32>, vector<16xi32>)
      %ge3A_207 = arith.cmpf oge, %masked_sort3A_192, %masked_sort3A_205 : vector<16xf32>
      %select_n3A_208 = arith.select %ge3A_207, %masked_sort3A_192, %masked_sort3A_205 : vector<16xi1>, vector<16xf32>
      %select_n3A_209 = arith.select %ge3A_207, %masked_sort3A_193, %masked_sort3A_206 : vector<16xi1>, vector<16xi32>
      %masked_sort3A_210 = arith.constant dense<true> : vector<16xi1>
      %masked_sort3A_211, %masked_sort3A_212, %masked_sort3A_213 = tpu.sort %select_n3A_208, %select_n3A_209 masked %masked_sort3A_210 {descending = true} : (vector<16xf32>, vector<16xi32>, vector<16xi1>) -> (vector<16xi1>, vector<16xf32>, vector<16xi32>)
      %mul3A_214 = arith.constant 256 : i32
      %mul3A_215 = arith.muli %scan3A_24, %mul3A_214 : i32
      %add3A_216 = arith.constant 160 : i32
      %add3A_217 = arith.addi %mul3A_215, %add3A_216 : i32
      %get3A_218 = arith.index_cast %add3A_217 : i32 to index
      %get3A_219 = tpu.vector_load %arg7[%get3A_218] {strides = array<i32>} : memref<8192xf32, #tpu.memory_space<vmem>>, vector<16xf32>,
      %add3A_220 = arith.constant 160 : i32
      %add3A_221 = vector.broadcast %add3A_220 : i32 to vector<16xi32>
      %add3A_222 = arith.addi %iota3A, %add3A_221 : vector<16xi32>
      %masked_sort3A_223 = arith.constant dense<true> : vector<16xi1>
      %masked_sort3A_224, %masked_sort3A_225, %masked_sort3A_226 = tpu.sort %get3A_219, %add3A_222 masked %masked_sort3A_223 : (vector<16xf32>, vector<16xi32>, vector<16xi1>) -> (vector<16xi1>, vector<16xf32>, vector<16xi32>)
      %ge3A_227 = arith.cmpf oge, %masked_sort3A_212, %masked_sort3A_225 : vector<16xf32>
      %select_n3A_228 = arith.select %ge3A_227, %masked_sort3A_212, %masked_sort3A_225 : vector<16xi1>, vector<16xf32>
      %select_n3A_229 = arith.select %ge3A_227, %masked_sort3A_213, %masked_sort3A_226 : vector<16xi1>, vector<16xi32>
      %masked_sort3A_230 = arith.constant dense<true> : vector<16xi1>
      %masked_sort3A_231, %masked_sort3A_232, %masked_sort3A_233 = tpu.sort %select_n3A_228, %select_n3A_229 masked %masked_sort3A_230 {descending = true} : (vector<16xf32>, vector<16xi32>, vector<16xi1>) -> (vector<16xi1>, vector<16xf32>, vector<16xi32>)
      %mul3A_234 = arith.constant 256 : i32
      %mul3A_235 = arith.muli %scan3A_24, %mul3A_234 : i32
      %add3A_236 = arith.constant 176 : i32
      %add3A_237 = arith.addi %mul3A_235, %add3A_236 : i32
      %get3A_238 = arith.index_cast %add3A_237 : i32 to index
      %get3A_239 = tpu.vector_load %arg7[%get3A_238] {strides = array<i32>} : memref<8192xf32, #tpu.memory_space<vmem>>, vector<16xf32>,
      %add3A_240 = arith.constant 176 : i32
      %add3A_241 = vector.broadcast %add3A_240 : i32 to vector<16xi32>
      %add3A_242 = arith.addi %iota3A, %add3A_241 : vector<16xi32>
      %masked_sort3A_243 = arith.constant dense<true> : vector<16xi1>
      %masked_sort3A_244, %masked_sort3A_245, %masked_sort3A_246 = tpu.sort %get3A_239, %add3A_242 masked %masked_sort3A_243 : (vector<16xf32>, vector<16xi32>, vector<16xi1>) -> (vector<16xi1>, vector<16xf32>, vector<16xi32>)
      %ge3A_247 = arith.cmpf oge, %masked_sort3A_232, %masked_sort3A_245 : vector<16xf32>
      %select_n3A_248 = arith.select %ge3A_247, %masked_sort3A_232, %masked_sort3A_245 : vector<16xi1>, vector<16xf32>
      %select_n3A_249 = arith.select %ge3A_247, %masked_sort3A_233, %masked_sort3A_246 : vector<16xi1>, vector<16xi32>
      %masked_sort3A_250 = arith.constant dense<true> : vector<16xi1>
      %masked_sort3A_251, %masked_sort3A_252, %masked_sort3A_253 = tpu.sort %select_n3A_248, %select_n3A_249 masked %masked_sort3A_250 {descending = true} : (vector<16xf32>, vector<16xi32>, vector<16xi1>) -> (vector<16xi1>, vector<16xf32>, vector<16xi32>)
      %mul3A_254 = arith.constant 256 : i32
      %mul3A_255 = arith.muli %scan3A_24, %mul3A_254 : i32
      %add3A_256 = arith.constant 192 : i32
      %add3A_257 = arith.addi %mul3A_255, %add3A_256 : i32
      %get3A_258 = arith.index_cast %add3A_257 : i32 to index
      %get3A_259 = tpu.vector_load %arg7[%get3A_258] {strides = array<i32>} : memref<8192xf32, #tpu.memory_space<vmem>>, vector<16xf32>,
      %add3A_260 = arith.constant 192 : i32
      %add3A_261 = vector.broadcast %add3A_260 : i32 to vector<16xi32>
      %add3A_262 = arith.addi %iota3A, %add3A_261 : vector<16xi32>
      %lt3A = arith.constant 8 : i32
      %lt3A_263 = vector.broadcast %lt3A : i32 to vector<16xi32>
      %lt3A_264 = arith.cmpi slt, %iota3A, %lt3A_263 : vector<16xi32>
      %broadcast_in_dim3A = vector.broadcast %scan3A : f32 to vector<16xf32>
      %select_n3A_265 = arith.select %lt3A_264, %get3A_259, %broadcast_in_dim3A : vector<16xi1>, vector<16xf32>
      %masked_sort3A_266 = arith.constant dense<true> : vector<16xi1>
      %masked_sort3A_267, %masked_sort3A_268, %masked_sort3A_269 = tpu.sort %select_n3A_265, %add3A_262 masked %masked_sort3A_266 : (vector<16xf32>, vector<16xi32>, vector<16xi1>) -> (vector<16xi1>, vector<16xf32>, vector<16xi32>)
      %ge3A_270 = arith.cmpf oge, %masked_sort3A_252, %masked_sort3A_268 : vector<16xf32>
      %select_n3A_271 = arith.select %ge3A_270, %masked_sort3A_252, %masked_sort3A_268 : vector<16xi1>, vector<16xf32>
      %select_n3A_272 = arith.select %ge3A_270, %masked_sort3A_253, %masked_sort3A_269 : vector<16xi1>, vector<16xi32>
      %masked_sort3A_273 = arith.constant dense<true> : vector<16xi1>
      %masked_sort3A_274, %masked_sort3A_275, %masked_sort3A_276 = tpu.sort %select_n3A_271, %select_n3A_272 masked %masked_sort3A_273 {descending = true} : (vector<16xf32>, vector<16xi32>, vector<16xi1>) -> (vector<16xi1>, vector<16xf32>, vector<16xi32>)
      %get3A_277 = arith.index_cast %scan3A_24 : i32 to index
      %get3A_278 = arith.constant 0 : index
      %get3A_279 = tpu.vector_load %arg9[%get3A_277, %get3A_278] {strides = array<i32>} : memref<32x16xf32, #tpu.memory_space<vmem>>, vector<16xf32>,
      %reduce_max3A = arith.constant true
      %reduce_max3A_280 = vector.broadcast %reduce_max3A : i1 to vector<16xi1>
      %reduce_max3A_281 = tpu.scan <max>, %get3A_279 masked %reduce_max3A_280 : vector<16xf32>, vector<16xi1> -> vector<16xf32>
      %reduce_max3A_282 = vector.extract %reduce_max3A_281[15] : f32 from vector<16xf32>
      %sub3A = vector.broadcast %reduce_max3A_282 : f32 to vector<16xf32>
      %sub3A_283 = arith.subf %get3A_279, %sub3A : vector<16xf32>
      %exp3A = math.exp %sub3A_283 : vector<16xf32>
      %reduce_sum3A = arith.constant true
      %reduce_sum3A_284 = vector.broadcast %reduce_sum3A : i1 to vector<16xi1>
      %reduce_sum3A_285 = tpu.scan <sum>, %exp3A masked %reduce_sum3A_284 : vector<16xf32>, vector<16xi1> -> vector<16xf32>
      %reduce_sum3A_286 = vector.extract %reduce_sum3A_285[15] : f32 from vector<16xf32>
      %div3A = vector.broadcast %reduce_sum3A_286 : f32 to vector<16xf32>
      %div3A_287 = arith.divf %exp3A, %div3A : vector<16xf32>
      %mul3A_288 = arith.constant 256 : i32
      %mul3A_289 = arith.muli %scan3A_24, %mul3A_288 : i32
      %add3A_290 = vector.broadcast %mul3A_289 : i32 to vector<16xi32>
      %add3A_291 = arith.addi %add3A_290, %masked_sort3A_276 : vector<16xi32>
      %gather3A = tpu.vector_load_idx %arg8[%add3A_291] : memref<8192xf32, #tpu.memory_space<vmem>>[vector<16xi32>], vector<16xf32>,
      %mul3A_292 = arith.mulf %div3A_287, %gather3A : vector<16xf32>
      %swap3A = arith.index_cast %scan3A_24 : i32 to index
      %swap3A_293 = arith.constant 0 : index
      %swap3A_294 = tpu.vector_load %arg10[%swap3A, %swap3A_293] {strides = array<i32>} : memref<32x16xf32, #tpu.memory_space<vmem>>, vector<16xf32>,
      tpu.vector_store %arg10[%swap3A, %swap3A_293], %mul3A_292 {strides = array<i32>} : memref<32x16xf32, #tpu.memory_space<vmem>>, vector<16xf32>,
      %add3A_295 = arith.constant 0 : i32
      %add3A_296 = arith.addi %add3A_295, %mul3A_2 : i32
      %add3A_297 = arith.addi %add3A_296, %scan3A_24 : i32
      %mul3A_298 = arith.constant 200 : i32
      %mul3A_299 = arith.muli %add3A_297, %mul3A_298 : i32
      %add3A_300 = vector.broadcast %mul3A_299 : i32 to vector<16xi32>
      %add3A_301 = arith.addi %add3A_300, %masked_sort3A_276 : vector<16xi32>
      %mul3A_302 = arith.constant 16 : i32
      %mul3A_303 = arith.muli %scan3A_24, %mul3A_302 : i32
      %dma_start3A = arith.constant 0 : i32
      %dma_start3A_304 = tpu.memref_slice %arg11[%mul3A_303, %dma_start3A] : memref<512x128xf32, #tpu.memory_space<vmem>> -> memref<16x128xf32, #tpu.memory_space<vmem>>
      %dma_start3A_305 = arith.constant 0 : i32
      %dma_start3A_306 = arith.constant 0 : i32
      %dma_start3A_307 = tpu.memref_slice %arg5[%dma_start3A_305, %dma_start3A_306] : memref<204800x128xf32, #tpu.memory_space<hbm>> -> memref<204800x128xf32, #tpu.memory_space<hbm>>
      tpu.enqueue_indirect_dma source(%dma_start3A_307 : memref<204800x128xf32, #tpu.memory_space<hbm>>) target(%dma_start3A_304 : memref<16x128xf32, #tpu.memory_space<vmem>>) offsets(%add3A_301 : vector<16xi32>) semaphore(%arg13 : memref<!tpu.dma_semaphore, #tpu.memory_space<semaphore_mem>>)
    }
    %scan3A_13 = arith.constant 32 : i32
    %dma_wait3A = arith.constant 0 : i32
    %dma_wait3A_14 = arith.constant 0 : i32
    %dma_wait3A_15 = tpu.memref_slice %arg5[%dma_wait3A, %dma_wait3A_14] : memref<204800x128xf32, #tpu.memory_space<hbm>> -> memref<512x128xf32, #tpu.memory_space<hbm>>
    %dma_wait3A_16 = arith.constant 0 : i32
    %dma_wait3A_17 = arith.constant 0 : i32
    %dma_wait3A_18 = tpu.memref_slice %arg5[%dma_wait3A_16, %dma_wait3A_17] : memref<204800x128xf32, #tpu.memory_space<hbm>> -> memref<512x128xf32, #tpu.memory_space<hbm>>
    tpu.wait_dma2 semaphore(%arg13 : memref<!tpu.dma_semaphore, #tpu.memory_space<semaphore_mem>>) src(%dma_wait3A_18 : memref<512x128xf32, #tpu.memory_space<hbm>>) dst(%arg11 : memref<512x128xf32, #tpu.memory_space<vmem>>)
    %scan3A_19 = arith.constant 0 : i32
    %scan3A_20 = arith.constant 32 : i32
    %scan3A_21 = arith.addi %scan3A_19, %scan3A_20 : i32
    %scan3A_22 = arith.constant 1 : i32
    scf.for %scan3A_24 = %scan3A_19 to %scan3A_21 step %scan3A_22  : i32 {
      %broadcast_in_dim3A = vector.broadcast %scan3A_24 : i32 to vector<16xi32>
      %broadcast_in_dim3A_25 = arith.constant 0.000000e+00 : f32
      %broadcast_in_dim3A_26 = vector.broadcast %broadcast_in_dim3A_25 : f32 to vector<16xf32>
      %broadcast_in_dim3A_27 = arith.constant 0.000000e+00 : f32
      %broadcast_in_dim3A_28 = vector.broadcast %broadcast_in_dim3A_27 : f32 to vector<16xf32>
      %broadcast_in_dim3A_29 = arith.constant 0.000000e+00 : f32
      %broadcast_in_dim3A_30 = vector.broadcast %broadcast_in_dim3A_29 : f32 to vector<16xf32>
      %broadcast_in_dim3A_31 = arith.constant 0.000000e+00 : f32
      %broadcast_in_dim3A_32 = vector.broadcast %broadcast_in_dim3A_31 : f32 to vector<16xf32>
      %broadcast_in_dim3A_33 = arith.constant 0.000000e+00 : f32
      %broadcast_in_dim3A_34 = vector.broadcast %broadcast_in_dim3A_33 : f32 to vector<16xf32>
      %broadcast_in_dim3A_35 = arith.constant 0.000000e+00 : f32
      %broadcast_in_dim3A_36 = vector.broadcast %broadcast_in_dim3A_35 : f32 to vector<16xf32>
      %broadcast_in_dim3A_37 = arith.constant 0.000000e+00 : f32
      %broadcast_in_dim3A_38 = vector.broadcast %broadcast_in_dim3A_37 : f32 to vector<16xf32>
      %broadcast_in_dim3A_39 = arith.constant 0.000000e+00 : f32
      %broadcast_in_dim3A_40 = vector.broadcast %broadcast_in_dim3A_39 : f32 to vector<16xf32>
      %broadcast_in_dim3A_41 = arith.constant 0 : i32
      %broadcast_in_dim3A_42 = vector.broadcast %broadcast_in_dim3A_41 : i32 to vector<16xi32>
      %gather3A = tpu.vector_load_idx %arg10[%broadcast_in_dim3A, %broadcast_in_dim3A_42] : memref<32x16xf32, #tpu.memory_space<vmem>>[vector<16xi32>, vector<16xi32>], vector<16xf32>,
      %mul3A_43 = arith.constant 16 : i32
      %mul3A_44 = arith.muli %scan3A_24, %mul3A_43 : i32
      %add3A_45 = arith.constant 0 : i32
      %add3A_46 = arith.addi %mul3A_44, %add3A_45 : i32
      %get3A = arith.index_cast %add3A_46 : i32 to index
      %get3A_47 = arith.constant 0 : index
      %get3A_48 = tpu.vector_load %arg11[%get3A, %get3A_47] {strides = array<i32>} : memref<512x128xf32, #tpu.memory_space<vmem>>, vector<16xf32>,
      %mul3A_49 = arith.mulf %gather3A, %get3A_48 : vector<16xf32>
      %add3A_50 = arith.addf %broadcast_in_dim3A_26, %mul3A_49 : vector<16xf32>
      %mul3A_51 = arith.constant 16 : i32
      %mul3A_52 = arith.muli %scan3A_24, %mul3A_51 : i32
      %add3A_53 = arith.constant 0 : i32
      %add3A_54 = arith.addi %mul3A_52, %add3A_53 : i32
      %get3A_55 = arith.index_cast %add3A_54 : i32 to index
      %get3A_56 = arith.constant 16 : index
      %get3A_57 = tpu.vector_load %arg11[%get3A_55, %get3A_56] {strides = array<i32>} : memref<512x128xf32, #tpu.memory_space<vmem>>, vector<16xf32>,
      %mul3A_58 = arith.mulf %gather3A, %get3A_57 : vector<16xf32>
      %add3A_59 = arith.addf %broadcast_in_dim3A_28, %mul3A_58 : vector<16xf32>
      %mul3A_60 = arith.constant 16 : i32
      %mul3A_61 = arith.muli %scan3A_24, %mul3A_60 : i32
      %add3A_62 = arith.constant 0 : i32
      %add3A_63 = arith.addi %mul3A_61, %add3A_62 : i32
      %get3A_64 = arith.index_cast %add3A_63 : i32 to index
      %get3A_65 = arith.constant 32 : index
      %get3A_66 = tpu.vector_load %arg11[%get3A_64, %get3A_65] {strides = array<i32>} : memref<512x128xf32, #tpu.memory_space<vmem>>, vector<16xf32>,
      %mul3A_67 = arith.mulf %gather3A, %get3A_66 : vector<16xf32>
      %add3A_68 = arith.addf %broadcast_in_dim3A_30, %mul3A_67 : vector<16xf32>
      %mul3A_69 = arith.constant 16 : i32
      %mul3A_70 = arith.muli %scan3A_24, %mul3A_69 : i32
      %add3A_71 = arith.constant 0 : i32
      %add3A_72 = arith.addi %mul3A_70, %add3A_71 : i32
      %get3A_73 = arith.index_cast %add3A_72 : i32 to index
      %get3A_74 = arith.constant 48 : index
      %get3A_75 = tpu.vector_load %arg11[%get3A_73, %get3A_74] {strides = array<i32>} : memref<512x128xf32, #tpu.memory_space<vmem>>, vector<16xf32>,
      %mul3A_76 = arith.mulf %gather3A, %get3A_75 : vector<16xf32>
      %add3A_77 = arith.addf %broadcast_in_dim3A_32, %mul3A_76 : vector<16xf32>
      %mul3A_78 = arith.constant 16 : i32
      %mul3A_79 = arith.muli %scan3A_24, %mul3A_78 : i32
      %add3A_80 = arith.constant 0 : i32
      %add3A_81 = arith.addi %mul3A_79, %add3A_80 : i32
      %get3A_82 = arith.index_cast %add3A_81 : i32 to index
      %get3A_83 = arith.constant 64 : index
      %get3A_84 = tpu.vector_load %arg11[%get3A_82, %get3A_83] {strides = array<i32>} : memref<512x128xf32, #tpu.memory_space<vmem>>, vector<16xf32>,
      %mul3A_85 = arith.mulf %gather3A, %get3A_84 : vector<16xf32>
      %add3A_86 = arith.addf %broadcast_in_dim3A_34, %mul3A_85 : vector<16xf32>
      %mul3A_87 = arith.constant 16 : i32
      %mul3A_88 = arith.muli %scan3A_24, %mul3A_87 : i32
      %add3A_89 = arith.constant 0 : i32
      %add3A_90 = arith.addi %mul3A_88, %add3A_89 : i32
      %get3A_91 = arith.index_cast %add3A_90 : i32 to index
      %get3A_92 = arith.constant 80 : index
      %get3A_93 = tpu.vector_load %arg11[%get3A_91, %get3A_92] {strides = array<i32>} : memref<512x128xf32, #tpu.memory_space<vmem>>, vector<16xf32>,
      %mul3A_94 = arith.mulf %gather3A, %get3A_93 : vector<16xf32>
      %add3A_95 = arith.addf %broadcast_in_dim3A_36, %mul3A_94 : vector<16xf32>
      %mul3A_96 = arith.constant 16 : i32
      %mul3A_97 = arith.muli %scan3A_24, %mul3A_96 : i32
      %add3A_98 = arith.constant 0 : i32
      %add3A_99 = arith.addi %mul3A_97, %add3A_98 : i32
      %get3A_100 = arith.index_cast %add3A_99 : i32 to index
      %get3A_101 = arith.constant 96 : index
      %get3A_102 = tpu.vector_load %arg11[%get3A_100, %get3A_101] {strides = array<i32>} : memref<512x128xf32, #tpu.memory_space<vmem>>, vector<16xf32>,
      %mul3A_103 = arith.mulf %gather3A, %get3A_102 : vector<16xf32>
      %add3A_104 = arith.addf %broadcast_in_dim3A_38, %mul3A_103 : vector<16xf32>
      %mul3A_105 = arith.constant 16 : i32
      %mul3A_106 = arith.muli %scan3A_24, %mul3A_105 : i32
      %add3A_107 = arith.constant 0 : i32
      %add3A_108 = arith.addi %mul3A_106, %add3A_107 : i32
      %get3A_109 = arith.index_cast %add3A_108 : i32 to index
      %get3A_110 = arith.constant 112 : index
      %get3A_111 = tpu.vector_load %arg11[%get3A_109, %get3A_110] {strides = array<i32>} : memref<512x128xf32, #tpu.memory_space<vmem>>, vector<16xf32>,
      %mul3A_112 = arith.mulf %gather3A, %get3A_111 : vector<16xf32>
      %add3A_113 = arith.addf %broadcast_in_dim3A_40, %mul3A_112 : vector<16xf32>
      %broadcast_in_dim3A_114 = arith.constant 1 : i32
      %broadcast_in_dim3A_115 = vector.broadcast %broadcast_in_dim3A_114 : i32 to vector<16xi32>
      %gather3A_116 = tpu.vector_load_idx %arg10[%broadcast_in_dim3A, %broadcast_in_dim3A_115] : memref<32x16xf32, #tpu.memory_space<vmem>>[vector<16xi32>, vector<16xi32>], vector<16xf32>,
      %mul3A_117 = arith.constant 16 : i32
      %mul3A_118 = arith.muli %scan3A_24, %mul3A_117 : i32
      %add3A_119 = arith.constant 1 : i32
      %add3A_120 = arith.addi %mul3A_118, %add3A_119 : i32
      %get3A_121 = arith.index_cast %add3A_120 : i32 to index
      %get3A_122 = arith.constant 0 : index
      %get3A_123 = tpu.vector_load %arg11[%get3A_121, %get3A_122] {strides = array<i32>} : memref<512x128xf32, #tpu.memory_space<vmem>>, vector<16xf32>,
      %mul3A_124 = arith.mulf %gather3A_116, %get3A_123 : vector<16xf32>
      %add3A_125 = arith.addf %add3A_50, %mul3A_124 : vector<16xf32>
      %mul3A_126 = arith.constant 16 : i32
      %mul3A_127 = arith.muli %scan3A_24, %mul3A_126 : i32
      %add3A_128 = arith.constant 1 : i32
      %add3A_129 = arith.addi %mul3A_127, %add3A_128 : i32
      %get3A_130 = arith.index_cast %add3A_129 : i32 to index
      %get3A_131 = arith.constant 16 : index
      %get3A_132 = tpu.vector_load %arg11[%get3A_130, %get3A_131] {strides = array<i32>} : memref<512x128xf32, #tpu.memory_space<vmem>>, vector<16xf32>,
      %mul3A_133 = arith.mulf %gather3A_116, %get3A_132 : vector<16xf32>
      %add3A_134 = arith.addf %add3A_59, %mul3A_133 : vector<16xf32>
      %mul3A_135 = arith.constant 16 : i32
      %mul3A_136 = arith.muli %scan3A_24, %mul3A_135 : i32
      %add3A_137 = arith.constant 1 : i32
      %add3A_138 = arith.addi %mul3A_136, %add3A_137 : i32
      %get3A_139 = arith.index_cast %add3A_138 : i32 to index
      %get3A_140 = arith.constant 32 : index
      %get3A_141 = tpu.vector_load %arg11[%get3A_139, %get3A_140] {strides = array<i32>} : memref<512x128xf32, #tpu.memory_space<vmem>>, vector<16xf32>,
      %mul3A_142 = arith.mulf %gather3A_116, %get3A_141 : vector<16xf32>
      %add3A_143 = arith.addf %add3A_68, %mul3A_142 : vector<16xf32>
      %mul3A_144 = arith.constant 16 : i32
      %mul3A_145 = arith.muli %scan3A_24, %mul3A_144 : i32
      %add3A_146 = arith.constant 1 : i32
      %add3A_147 = arith.addi %mul3A_145, %add3A_146 : i32
      %get3A_148 = arith.index_cast %add3A_147 : i32 to index
      %get3A_149 = arith.constant 48 : index
      %get3A_150 = tpu.vector_load %arg11[%get3A_148, %get3A_149] {strides = array<i32>} : memref<512x128xf32, #tpu.memory_space<vmem>>, vector<16xf32>,
      %mul3A_151 = arith.mulf %gather3A_116, %get3A_150 : vector<16xf32>
      %add3A_152 = arith.addf %add3A_77, %mul3A_151 : vector<16xf32>
      %mul3A_153 = arith.constant 16 : i32
      %mul3A_154 = arith.muli %scan3A_24, %mul3A_153 : i32
      %add3A_155 = arith.constant 1 : i32
      %add3A_156 = arith.addi %mul3A_154, %add3A_155 : i32
      %get3A_157 = arith.index_cast %add3A_156 : i32 to index
      %get3A_158 = arith.constant 64 : index
      %get3A_159 = tpu.vector_load %arg11[%get3A_157, %get3A_158] {strides = array<i32>} : memref<512x128xf32, #tpu.memory_space<vmem>>, vector<16xf32>,
      %mul3A_160 = arith.mulf %gather3A_116, %get3A_159 : vector<16xf32>
      %add3A_161 = arith.addf %add3A_86, %mul3A_160 : vector<16xf32>
      %mul3A_162 = arith.constant 16 : i32
      %mul3A_163 = arith.muli %scan3A_24, %mul3A_162 : i32
      %add3A_164 = arith.constant 1 : i32
      %add3A_165 = arith.addi %mul3A_163, %add3A_164 : i32
      %get3A_166 = arith.index_cast %add3A_165 : i32 to index
      %get3A_167 = arith.constant 80 : index
      %get3A_168 = tpu.vector_load %arg11[%get3A_166, %get3A_167] {strides = array<i32>} : memref<512x128xf32, #tpu.memory_space<vmem>>, vector<16xf32>,
      %mul3A_169 = arith.mulf %gather3A_116, %get3A_168 : vector<16xf32>
      %add3A_170 = arith.addf %add3A_95, %mul3A_169 : vector<16xf32>
      %mul3A_171 = arith.constant 16 : i32
      %mul3A_172 = arith.muli %scan3A_24, %mul3A_171 : i32
      %add3A_173 = arith.constant 1 : i32
      %add3A_174 = arith.addi %mul3A_172, %add3A_173 : i32
      %get3A_175 = arith.index_cast %add3A_174 : i32 to index
      %get3A_176 = arith.constant 96 : index
      %get3A_177 = tpu.vector_load %arg11[%get3A_175, %get3A_176] {strides = array<i32>} : memref<512x128xf32, #tpu.memory_space<vmem>>, vector<16xf32>,
      %mul3A_178 = arith.mulf %gather3A_116, %get3A_177 : vector<16xf32>
      %add3A_179 = arith.addf %add3A_104, %mul3A_178 : vector<16xf32>
      %mul3A_180 = arith.constant 16 : i32
      %mul3A_181 = arith.muli %scan3A_24, %mul3A_180 : i32
      %add3A_182 = arith.constant 1 : i32
      %add3A_183 = arith.addi %mul3A_181, %add3A_182 : i32
      %get3A_184 = arith.index_cast %add3A_183 : i32 to index
      %get3A_185 = arith.constant 112 : index
      %get3A_186 = tpu.vector_load %arg11[%get3A_184, %get3A_185] {strides = array<i32>} : memref<512x128xf32, #tpu.memory_space<vmem>>, vector<16xf32>,
      %mul3A_187 = arith.mulf %gather3A_116, %get3A_186 : vector<16xf32>
      %add3A_188 = arith.addf %add3A_113, %mul3A_187 : vector<16xf32>
      %broadcast_in_dim3A_189 = arith.constant 2 : i32
      %broadcast_in_dim3A_190 = vector.broadcast %broadcast_in_dim3A_189 : i32 to vector<16xi32>
      %gather3A_191 = tpu.vector_load_idx %arg10[%broadcast_in_dim3A, %broadcast_in_dim3A_190] : memref<32x16xf32, #tpu.memory_space<vmem>>[vector<16xi32>, vector<16xi32>], vector<16xf32>,
      %mul3A_192 = arith.constant 16 : i32
      %mul3A_193 = arith.muli %scan3A_24, %mul3A_192 : i32
      %add3A_194 = arith.constant 2 : i32
      %add3A_195 = arith.addi %mul3A_193, %add3A_194 : i32
      %get3A_196 = arith.index_cast %add3A_195 : i32 to index
      %get3A_197 = arith.constant 0 : index
      %get3A_198 = tpu.vector_load %arg11[%get3A_196, %get3A_197] {strides = array<i32>} : memref<512x128xf32, #tpu.memory_space<vmem>>, vector<16xf32>,
      %mul3A_199 = arith.mulf %gather3A_191, %get3A_198 : vector<16xf32>
      %add3A_200 = arith.addf %add3A_125, %mul3A_199 : vector<16xf32>
      %mul3A_201 = arith.constant 16 : i32
      %mul3A_202 = arith.muli %scan3A_24, %mul3A_201 : i32
      %add3A_203 = arith.constant 2 : i32
      %add3A_204 = arith.addi %mul3A_202, %add3A_203 : i32
      %get3A_205 = arith.index_cast %add3A_204 : i32 to index
      %get3A_206 = arith.constant 16 : index
      %get3A_207 = tpu.vector_load %arg11[%get3A_205, %get3A_206] {strides = array<i32>} : memref<512x128xf32, #tpu.memory_space<vmem>>, vector<16xf32>,
      %mul3A_208 = arith.mulf %gather3A_191, %get3A_207 : vector<16xf32>
      %add3A_209 = arith.addf %add3A_134, %mul3A_208 : vector<16xf32>
      %mul3A_210 = arith.constant 16 : i32
      %mul3A_211 = arith.muli %scan3A_24, %mul3A_210 : i32
      %add3A_212 = arith.constant 2 : i32
      %add3A_213 = arith.addi %mul3A_211, %add3A_212 : i32
      %get3A_214 = arith.index_cast %add3A_213 : i32 to index
      %get3A_215 = arith.constant 32 : index
      %get3A_216 = tpu.vector_load %arg11[%get3A_214, %get3A_215] {strides = array<i32>} : memref<512x128xf32, #tpu.memory_space<vmem>>, vector<16xf32>,
      %mul3A_217 = arith.mulf %gather3A_191, %get3A_216 : vector<16xf32>
      %add3A_218 = arith.addf %add3A_143, %mul3A_217 : vector<16xf32>
      %mul3A_219 = arith.constant 16 : i32
      %mul3A_220 = arith.muli %scan3A_24, %mul3A_219 : i32
      %add3A_221 = arith.constant 2 : i32
      %add3A_222 = arith.addi %mul3A_220, %add3A_221 : i32
      %get3A_223 = arith.index_cast %add3A_222 : i32 to index
      %get3A_224 = arith.constant 48 : index
      %get3A_225 = tpu.vector_load %arg11[%get3A_223, %get3A_224] {strides = array<i32>} : memref<512x128xf32, #tpu.memory_space<vmem>>, vector<16xf32>,
      %mul3A_226 = arith.mulf %gather3A_191, %get3A_225 : vector<16xf32>
      %add3A_227 = arith.addf %add3A_152, %mul3A_226 : vector<16xf32>
      %mul3A_228 = arith.constant 16 : i32
      %mul3A_229 = arith.muli %scan3A_24, %mul3A_228 : i32
      %add3A_230 = arith.constant 2 : i32
      %add3A_231 = arith.addi %mul3A_229, %add3A_230 : i32
      %get3A_232 = arith.index_cast %add3A_231 : i32 to index
      %get3A_233 = arith.constant 64 : index
      %get3A_234 = tpu.vector_load %arg11[%get3A_232, %get3A_233] {strides = array<i32>} : memref<512x128xf32, #tpu.memory_space<vmem>>, vector<16xf32>,
      %mul3A_235 = arith.mulf %gather3A_191, %get3A_234 : vector<16xf32>
      %add3A_236 = arith.addf %add3A_161, %mul3A_235 : vector<16xf32>
      %mul3A_237 = arith.constant 16 : i32
      %mul3A_238 = arith.muli %scan3A_24, %mul3A_237 : i32
      %add3A_239 = arith.constant 2 : i32
      %add3A_240 = arith.addi %mul3A_238, %add3A_239 : i32
      %get3A_241 = arith.index_cast %add3A_240 : i32 to index
      %get3A_242 = arith.constant 80 : index
      %get3A_243 = tpu.vector_load %arg11[%get3A_241, %get3A_242] {strides = array<i32>} : memref<512x128xf32, #tpu.memory_space<vmem>>, vector<16xf32>,
      %mul3A_244 = arith.mulf %gather3A_191, %get3A_243 : vector<16xf32>
      %add3A_245 = arith.addf %add3A_170, %mul3A_244 : vector<16xf32>
      %mul3A_246 = arith.constant 16 : i32
      %mul3A_247 = arith.muli %scan3A_24, %mul3A_246 : i32
      %add3A_248 = arith.constant 2 : i32
      %add3A_249 = arith.addi %mul3A_247, %add3A_248 : i32
      %get3A_250 = arith.index_cast %add3A_249 : i32 to index
      %get3A_251 = arith.constant 96 : index
      %get3A_252 = tpu.vector_load %arg11[%get3A_250, %get3A_251] {strides = array<i32>} : memref<512x128xf32, #tpu.memory_space<vmem>>, vector<16xf32>,
      %mul3A_253 = arith.mulf %gather3A_191, %get3A_252 : vector<16xf32>
      %add3A_254 = arith.addf %add3A_179, %mul3A_253 : vector<16xf32>
      %mul3A_255 = arith.constant 16 : i32
      %mul3A_256 = arith.muli %scan3A_24, %mul3A_255 : i32
      %add3A_257 = arith.constant 2 : i32
      %add3A_258 = arith.addi %mul3A_256, %add3A_257 : i32
      %get3A_259 = arith.index_cast %add3A_258 : i32 to index
      %get3A_260 = arith.constant 112 : index
      %get3A_261 = tpu.vector_load %arg11[%get3A_259, %get3A_260] {strides = array<i32>} : memref<512x128xf32, #tpu.memory_space<vmem>>, vector<16xf32>,
      %mul3A_262 = arith.mulf %gather3A_191, %get3A_261 : vector<16xf32>
      %add3A_263 = arith.addf %add3A_188, %mul3A_262 : vector<16xf32>
      %broadcast_in_dim3A_264 = arith.constant 3 : i32
      %broadcast_in_dim3A_265 = vector.broadcast %broadcast_in_dim3A_264 : i32 to vector<16xi32>
      %gather3A_266 = tpu.vector_load_idx %arg10[%broadcast_in_dim3A, %broadcast_in_dim3A_265] : memref<32x16xf32, #tpu.memory_space<vmem>>[vector<16xi32>, vector<16xi32>], vector<16xf32>,
      %mul3A_267 = arith.constant 16 : i32
      %mul3A_268 = arith.muli %scan3A_24, %mul3A_267 : i32
      %add3A_269 = arith.constant 3 : i32
      %add3A_270 = arith.addi %mul3A_268, %add3A_269 : i32
      %get3A_271 = arith.index_cast %add3A_270 : i32 to index
      %get3A_272 = arith.constant 0 : index
      %get3A_273 = tpu.vector_load %arg11[%get3A_271, %get3A_272] {strides = array<i32>} : memref<512x128xf32, #tpu.memory_space<vmem>>, vector<16xf32>,
      %mul3A_274 = arith.mulf %gather3A_266, %get3A_273 : vector<16xf32>
      %add3A_275 = arith.addf %add3A_200, %mul3A_274 : vector<16xf32>
      %mul3A_276 = arith.constant 16 : i32
      %mul3A_277 = arith.muli %scan3A_24, %mul3A_276 : i32
      %add3A_278 = arith.constant 3 : i32
      %add3A_279 = arith.addi %mul3A_277, %add3A_278 : i32
      %get3A_280 = arith.index_cast %add3A_279 : i32 to index
      %get3A_281 = arith.constant 16 : index
      %get3A_282 = tpu.vector_load %arg11[%get3A_280, %get3A_281] {strides = array<i32>} : memref<512x128xf32, #tpu.memory_space<vmem>>, vector<16xf32>,
      %mul3A_283 = arith.mulf %gather3A_266, %get3A_282 : vector<16xf32>
      %add3A_284 = arith.addf %add3A_209, %mul3A_283 : vector<16xf32>
      %mul3A_285 = arith.constant 16 : i32
      %mul3A_286 = arith.muli %scan3A_24, %mul3A_285 : i32
      %add3A_287 = arith.constant 3 : i32
      %add3A_288 = arith.addi %mul3A_286, %add3A_287 : i32
      %get3A_289 = arith.index_cast %add3A_288 : i32 to index
      %get3A_290 = arith.constant 32 : index
      %get3A_291 = tpu.vector_load %arg11[%get3A_289, %get3A_290] {strides = array<i32>} : memref<512x128xf32, #tpu.memory_space<vmem>>, vector<16xf32>,
      %mul3A_292 = arith.mulf %gather3A_266, %get3A_291 : vector<16xf32>
      %add3A_293 = arith.addf %add3A_218, %mul3A_292 : vector<16xf32>
      %mul3A_294 = arith.constant 16 : i32
      %mul3A_295 = arith.muli %scan3A_24, %mul3A_294 : i32
      %add3A_296 = arith.constant 3 : i32
      %add3A_297 = arith.addi %mul3A_295, %add3A_296 : i32
      %get3A_298 = arith.index_cast %add3A_297 : i32 to index
      %get3A_299 = arith.constant 48 : index
      %get3A_300 = tpu.vector_load %arg11[%get3A_298, %get3A_299] {strides = array<i32>} : memref<512x128xf32, #tpu.memory_space<vmem>>, vector<16xf32>,
      %mul3A_301 = arith.mulf %gather3A_266, %get3A_300 : vector<16xf32>
      %add3A_302 = arith.addf %add3A_227, %mul3A_301 : vector<16xf32>
      %mul3A_303 = arith.constant 16 : i32
      %mul3A_304 = arith.muli %scan3A_24, %mul3A_303 : i32
      %add3A_305 = arith.constant 3 : i32
      %add3A_306 = arith.addi %mul3A_304, %add3A_305 : i32
      %get3A_307 = arith.index_cast %add3A_306 : i32 to index
      %get3A_308 = arith.constant 64 : index
      %get3A_309 = tpu.vector_load %arg11[%get3A_307, %get3A_308] {strides = array<i32>} : memref<512x128xf32, #tpu.memory_space<vmem>>, vector<16xf32>,
      %mul3A_310 = arith.mulf %gather3A_266, %get3A_309 : vector<16xf32>
      %add3A_311 = arith.addf %add3A_236, %mul3A_310 : vector<16xf32>
      %mul3A_312 = arith.constant 16 : i32
      %mul3A_313 = arith.muli %scan3A_24, %mul3A_312 : i32
      %add3A_314 = arith.constant 3 : i32
      %add3A_315 = arith.addi %mul3A_313, %add3A_314 : i32
      %get3A_316 = arith.index_cast %add3A_315 : i32 to index
      %get3A_317 = arith.constant 80 : index
      %get3A_318 = tpu.vector_load %arg11[%get3A_316, %get3A_317] {strides = array<i32>} : memref<512x128xf32, #tpu.memory_space<vmem>>, vector<16xf32>,
      %mul3A_319 = arith.mulf %gather3A_266, %get3A_318 : vector<16xf32>
      %add3A_320 = arith.addf %add3A_245, %mul3A_319 : vector<16xf32>
      %mul3A_321 = arith.constant 16 : i32
      %mul3A_322 = arith.muli %scan3A_24, %mul3A_321 : i32
      %add3A_323 = arith.constant 3 : i32
      %add3A_324 = arith.addi %mul3A_322, %add3A_323 : i32
      %get3A_325 = arith.index_cast %add3A_324 : i32 to index
      %get3A_326 = arith.constant 96 : index
      %get3A_327 = tpu.vector_load %arg11[%get3A_325, %get3A_326] {strides = array<i32>} : memref<512x128xf32, #tpu.memory_space<vmem>>, vector<16xf32>,
      %mul3A_328 = arith.mulf %gather3A_266, %get3A_327 : vector<16xf32>
      %add3A_329 = arith.addf %add3A_254, %mul3A_328 : vector<16xf32>
      %mul3A_330 = arith.constant 16 : i32
      %mul3A_331 = arith.muli %scan3A_24, %mul3A_330 : i32
      %add3A_332 = arith.constant 3 : i32
      %add3A_333 = arith.addi %mul3A_331, %add3A_332 : i32
      %get3A_334 = arith.index_cast %add3A_333 : i32 to index
      %get3A_335 = arith.constant 112 : index
      %get3A_336 = tpu.vector_load %arg11[%get3A_334, %get3A_335] {strides = array<i32>} : memref<512x128xf32, #tpu.memory_space<vmem>>, vector<16xf32>,
      %mul3A_337 = arith.mulf %gather3A_266, %get3A_336 : vector<16xf32>
      %add3A_338 = arith.addf %add3A_263, %mul3A_337 : vector<16xf32>
      %broadcast_in_dim3A_339 = arith.constant 4 : i32
      %broadcast_in_dim3A_340 = vector.broadcast %broadcast_in_dim3A_339 : i32 to vector<16xi32>
      %gather3A_341 = tpu.vector_load_idx %arg10[%broadcast_in_dim3A, %broadcast_in_dim3A_340] : memref<32x16xf32, #tpu.memory_space<vmem>>[vector<16xi32>, vector<16xi32>], vector<16xf32>,
      %mul3A_342 = arith.constant 16 : i32
      %mul3A_343 = arith.muli %scan3A_24, %mul3A_342 : i32
      %add3A_344 = arith.constant 4 : i32
      %add3A_345 = arith.addi %mul3A_343, %add3A_344 : i32
      %get3A_346 = arith.index_cast %add3A_345 : i32 to index
      %get3A_347 = arith.constant 0 : index
      %get3A_348 = tpu.vector_load %arg11[%get3A_346, %get3A_347] {strides = array<i32>} : memref<512x128xf32, #tpu.memory_space<vmem>>, vector<16xf32>,
      %mul3A_349 = arith.mulf %gather3A_341, %get3A_348 : vector<16xf32>
      %add3A_350 = arith.addf %add3A_275, %mul3A_349 : vector<16xf32>
      %mul3A_351 = arith.constant 16 : i32
      %mul3A_352 = arith.muli %scan3A_24, %mul3A_351 : i32
      %add3A_353 = arith.constant 4 : i32
      %add3A_354 = arith.addi %mul3A_352, %add3A_353 : i32
      %get3A_355 = arith.index_cast %add3A_354 : i32 to index
      %get3A_356 = arith.constant 16 : index
      %get3A_357 = tpu.vector_load %arg11[%get3A_355, %get3A_356] {strides = array<i32>} : memref<512x128xf32, #tpu.memory_space<vmem>>, vector<16xf32>,
      %mul3A_358 = arith.mulf %gather3A_341, %get3A_357 : vector<16xf32>
      %add3A_359 = arith.addf %add3A_284, %mul3A_358 : vector<16xf32>
      %mul3A_360 = arith.constant 16 : i32
      %mul3A_361 = arith.muli %scan3A_24, %mul3A_360 : i32
      %add3A_362 = arith.constant 4 : i32
      %add3A_363 = arith.addi %mul3A_361, %add3A_362 : i32
      %get3A_364 = arith.index_cast %add3A_363 : i32 to index
      %get3A_365 = arith.constant 32 : index
      %get3A_366 = tpu.vector_load %arg11[%get3A_364, %get3A_365] {strides = array<i32>} : memref<512x128xf32, #tpu.memory_space<vmem>>, vector<16xf32>,
      %mul3A_367 = arith.mulf %gather3A_341, %get3A_366 : vector<16xf32>
      %add3A_368 = arith.addf %add3A_293, %mul3A_367 : vector<16xf32>
      %mul3A_369 = arith.constant 16 : i32
      %mul3A_370 = arith.muli %scan3A_24, %mul3A_369 : i32
      %add3A_371 = arith.constant 4 : i32
      %add3A_372 = arith.addi %mul3A_370, %add3A_371 : i32
      %get3A_373 = arith.index_cast %add3A_372 : i32 to index
      %get3A_374 = arith.constant 48 : index
      %get3A_375 = tpu.vector_load %arg11[%get3A_373, %get3A_374] {strides = array<i32>} : memref<512x128xf32, #tpu.memory_space<vmem>>, vector<16xf32>,
      %mul3A_376 = arith.mulf %gather3A_341, %get3A_375 : vector<16xf32>
      %add3A_377 = arith.addf %add3A_302, %mul3A_376 : vector<16xf32>
      %mul3A_378 = arith.constant 16 : i32
      %mul3A_379 = arith.muli %scan3A_24, %mul3A_378 : i32
      %add3A_380 = arith.constant 4 : i32
      %add3A_381 = arith.addi %mul3A_379, %add3A_380 : i32
      %get3A_382 = arith.index_cast %add3A_381 : i32 to index
      %get3A_383 = arith.constant 64 : index
      %get3A_384 = tpu.vector_load %arg11[%get3A_382, %get3A_383] {strides = array<i32>} : memref<512x128xf32, #tpu.memory_space<vmem>>, vector<16xf32>,
      %mul3A_385 = arith.mulf %gather3A_341, %get3A_384 : vector<16xf32>
      %add3A_386 = arith.addf %add3A_311, %mul3A_385 : vector<16xf32>
      %mul3A_387 = arith.constant 16 : i32
      %mul3A_388 = arith.muli %scan3A_24, %mul3A_387 : i32
      %add3A_389 = arith.constant 4 : i32
      %add3A_390 = arith.addi %mul3A_388, %add3A_389 : i32
      %get3A_391 = arith.index_cast %add3A_390 : i32 to index
      %get3A_392 = arith.constant 80 : index
      %get3A_393 = tpu.vector_load %arg11[%get3A_391, %get3A_392] {strides = array<i32>} : memref<512x128xf32, #tpu.memory_space<vmem>>, vector<16xf32>,
      %mul3A_394 = arith.mulf %gather3A_341, %get3A_393 : vector<16xf32>
      %add3A_395 = arith.addf %add3A_320, %mul3A_394 : vector<16xf32>
      %mul3A_396 = arith.constant 16 : i32
      %mul3A_397 = arith.muli %scan3A_24, %mul3A_396 : i32
      %add3A_398 = arith.constant 4 : i32
      %add3A_399 = arith.addi %mul3A_397, %add3A_398 : i32
      %get3A_400 = arith.index_cast %add3A_399 : i32 to index
      %get3A_401 = arith.constant 96 : index
      %get3A_402 = tpu.vector_load %arg11[%get3A_400, %get3A_401] {strides = array<i32>} : memref<512x128xf32, #tpu.memory_space<vmem>>, vector<16xf32>,
      %mul3A_403 = arith.mulf %gather3A_341, %get3A_402 : vector<16xf32>
      %add3A_404 = arith.addf %add3A_329, %mul3A_403 : vector<16xf32>
      %mul3A_405 = arith.constant 16 : i32
      %mul3A_406 = arith.muli %scan3A_24, %mul3A_405 : i32
      %add3A_407 = arith.constant 4 : i32
      %add3A_408 = arith.addi %mul3A_406, %add3A_407 : i32
      %get3A_409 = arith.index_cast %add3A_408 : i32 to index
      %get3A_410 = arith.constant 112 : index
      %get3A_411 = tpu.vector_load %arg11[%get3A_409, %get3A_410] {strides = array<i32>} : memref<512x128xf32, #tpu.memory_space<vmem>>, vector<16xf32>,
      %mul3A_412 = arith.mulf %gather3A_341, %get3A_411 : vector<16xf32>
      %add3A_413 = arith.addf %add3A_338, %mul3A_412 : vector<16xf32>
      %broadcast_in_dim3A_414 = arith.constant 5 : i32
      %broadcast_in_dim3A_415 = vector.broadcast %broadcast_in_dim3A_414 : i32 to vector<16xi32>
      %gather3A_416 = tpu.vector_load_idx %arg10[%broadcast_in_dim3A, %broadcast_in_dim3A_415] : memref<32x16xf32, #tpu.memory_space<vmem>>[vector<16xi32>, vector<16xi32>], vector<16xf32>,
      %mul3A_417 = arith.constant 16 : i32
      %mul3A_418 = arith.muli %scan3A_24, %mul3A_417 : i32
      %add3A_419 = arith.constant 5 : i32
      %add3A_420 = arith.addi %mul3A_418, %add3A_419 : i32
      %get3A_421 = arith.index_cast %add3A_420 : i32 to index
      %get3A_422 = arith.constant 0 : index
      %get3A_423 = tpu.vector_load %arg11[%get3A_421, %get3A_422] {strides = array<i32>} : memref<512x128xf32, #tpu.memory_space<vmem>>, vector<16xf32>,
      %mul3A_424 = arith.mulf %gather3A_416, %get3A_423 : vector<16xf32>
      %add3A_425 = arith.addf %add3A_350, %mul3A_424 : vector<16xf32>
      %mul3A_426 = arith.constant 16 : i32
      %mul3A_427 = arith.muli %scan3A_24, %mul3A_426 : i32
      %add3A_428 = arith.constant 5 : i32
      %add3A_429 = arith.addi %mul3A_427, %add3A_428 : i32
      %get3A_430 = arith.index_cast %add3A_429 : i32 to index
      %get3A_431 = arith.constant 16 : index
      %get3A_432 = tpu.vector_load %arg11[%get3A_430, %get3A_431] {strides = array<i32>} : memref<512x128xf32, #tpu.memory_space<vmem>>, vector<16xf32>,
      %mul3A_433 = arith.mulf %gather3A_416, %get3A_432 : vector<16xf32>
      %add3A_434 = arith.addf %add3A_359, %mul3A_433 : vector<16xf32>
      %mul3A_435 = arith.constant 16 : i32
      %mul3A_436 = arith.muli %scan3A_24, %mul3A_435 : i32
      %add3A_437 = arith.constant 5 : i32
      %add3A_438 = arith.addi %mul3A_436, %add3A_437 : i32
      %get3A_439 = arith.index_cast %add3A_438 : i32 to index
      %get3A_440 = arith.constant 32 : index
      %get3A_441 = tpu.vector_load %arg11[%get3A_439, %get3A_440] {strides = array<i32>} : memref<512x128xf32, #tpu.memory_space<vmem>>, vector<16xf32>,
      %mul3A_442 = arith.mulf %gather3A_416, %get3A_441 : vector<16xf32>
      %add3A_443 = arith.addf %add3A_368, %mul3A_442 : vector<16xf32>
      %mul3A_444 = arith.constant 16 : i32
      %mul3A_445 = arith.muli %scan3A_24, %mul3A_444 : i32
      %add3A_446 = arith.constant 5 : i32
      %add3A_447 = arith.addi %mul3A_445, %add3A_446 : i32
      %get3A_448 = arith.index_cast %add3A_447 : i32 to index
      %get3A_449 = arith.constant 48 : index
      %get3A_450 = tpu.vector_load %arg11[%get3A_448, %get3A_449] {strides = array<i32>} : memref<512x128xf32, #tpu.memory_space<vmem>>, vector<16xf32>,
      %mul3A_451 = arith.mulf %gather3A_416, %get3A_450 : vector<16xf32>
      %add3A_452 = arith.addf %add3A_377, %mul3A_451 : vector<16xf32>
      %mul3A_453 = arith.constant 16 : i32
      %mul3A_454 = arith.muli %scan3A_24, %mul3A_453 : i32
      %add3A_455 = arith.constant 5 : i32
      %add3A_456 = arith.addi %mul3A_454, %add3A_455 : i32
      %get3A_457 = arith.index_cast %add3A_456 : i32 to index
      %get3A_458 = arith.constant 64 : index
      %get3A_459 = tpu.vector_load %arg11[%get3A_457, %get3A_458] {strides = array<i32>} : memref<512x128xf32, #tpu.memory_space<vmem>>, vector<16xf32>,
      %mul3A_460 = arith.mulf %gather3A_416, %get3A_459 : vector<16xf32>
      %add3A_461 = arith.addf %add3A_386, %mul3A_460 : vector<16xf32>
      %mul3A_462 = arith.constant 16 : i32
      %mul3A_463 = arith.muli %scan3A_24, %mul3A_462 : i32
      %add3A_464 = arith.constant 5 : i32
      %add3A_465 = arith.addi %mul3A_463, %add3A_464 : i32
      %get3A_466 = arith.index_cast %add3A_465 : i32 to index
      %get3A_467 = arith.constant 80 : index
      %get3A_468 = tpu.vector_load %arg11[%get3A_466, %get3A_467] {strides = array<i32>} : memref<512x128xf32, #tpu.memory_space<vmem>>, vector<16xf32>,
      %mul3A_469 = arith.mulf %gather3A_416, %get3A_468 : vector<16xf32>
      %add3A_470 = arith.addf %add3A_395, %mul3A_469 : vector<16xf32>
      %mul3A_471 = arith.constant 16 : i32
      %mul3A_472 = arith.muli %scan3A_24, %mul3A_471 : i32
      %add3A_473 = arith.constant 5 : i32
      %add3A_474 = arith.addi %mul3A_472, %add3A_473 : i32
      %get3A_475 = arith.index_cast %add3A_474 : i32 to index
      %get3A_476 = arith.constant 96 : index
      %get3A_477 = tpu.vector_load %arg11[%get3A_475, %get3A_476] {strides = array<i32>} : memref<512x128xf32, #tpu.memory_space<vmem>>, vector<16xf32>,
      %mul3A_478 = arith.mulf %gather3A_416, %get3A_477 : vector<16xf32>
      %add3A_479 = arith.addf %add3A_404, %mul3A_478 : vector<16xf32>
      %mul3A_480 = arith.constant 16 : i32
      %mul3A_481 = arith.muli %scan3A_24, %mul3A_480 : i32
      %add3A_482 = arith.constant 5 : i32
      %add3A_483 = arith.addi %mul3A_481, %add3A_482 : i32
      %get3A_484 = arith.index_cast %add3A_483 : i32 to index
      %get3A_485 = arith.constant 112 : index
      %get3A_486 = tpu.vector_load %arg11[%get3A_484, %get3A_485] {strides = array<i32>} : memref<512x128xf32, #tpu.memory_space<vmem>>, vector<16xf32>,
      %mul3A_487 = arith.mulf %gather3A_416, %get3A_486 : vector<16xf32>
      %add3A_488 = arith.addf %add3A_413, %mul3A_487 : vector<16xf32>
      %broadcast_in_dim3A_489 = arith.constant 6 : i32
      %broadcast_in_dim3A_490 = vector.broadcast %broadcast_in_dim3A_489 : i32 to vector<16xi32>
      %gather3A_491 = tpu.vector_load_idx %arg10[%broadcast_in_dim3A, %broadcast_in_dim3A_490] : memref<32x16xf32, #tpu.memory_space<vmem>>[vector<16xi32>, vector<16xi32>], vector<16xf32>,
      %mul3A_492 = arith.constant 16 : i32
      %mul3A_493 = arith.muli %scan3A_24, %mul3A_492 : i32
      %add3A_494 = arith.constant 6 : i32
      %add3A_495 = arith.addi %mul3A_493, %add3A_494 : i32
      %get3A_496 = arith.index_cast %add3A_495 : i32 to index
      %get3A_497 = arith.constant 0 : index
      %get3A_498 = tpu.vector_load %arg11[%get3A_496, %get3A_497] {strides = array<i32>} : memref<512x128xf32, #tpu.memory_space<vmem>>, vector<16xf32>,
      %mul3A_499 = arith.mulf %gather3A_491, %get3A_498 : vector<16xf32>
      %add3A_500 = arith.addf %add3A_425, %mul3A_499 : vector<16xf32>
      %mul3A_501 = arith.constant 16 : i32
      %mul3A_502 = arith.muli %scan3A_24, %mul3A_501 : i32
      %add3A_503 = arith.constant 6 : i32
      %add3A_504 = arith.addi %mul3A_502, %add3A_503 : i32
      %get3A_505 = arith.index_cast %add3A_504 : i32 to index
      %get3A_506 = arith.constant 16 : index
      %get3A_507 = tpu.vector_load %arg11[%get3A_505, %get3A_506] {strides = array<i32>} : memref<512x128xf32, #tpu.memory_space<vmem>>, vector<16xf32>,
      %mul3A_508 = arith.mulf %gather3A_491, %get3A_507 : vector<16xf32>
      %add3A_509 = arith.addf %add3A_434, %mul3A_508 : vector<16xf32>
      %mul3A_510 = arith.constant 16 : i32
      %mul3A_511 = arith.muli %scan3A_24, %mul3A_510 : i32
      %add3A_512 = arith.constant 6 : i32
      %add3A_513 = arith.addi %mul3A_511, %add3A_512 : i32
      %get3A_514 = arith.index_cast %add3A_513 : i32 to index
      %get3A_515 = arith.constant 32 : index
      %get3A_516 = tpu.vector_load %arg11[%get3A_514, %get3A_515] {strides = array<i32>} : memref<512x128xf32, #tpu.memory_space<vmem>>, vector<16xf32>,
      %mul3A_517 = arith.mulf %gather3A_491, %get3A_516 : vector<16xf32>
      %add3A_518 = arith.addf %add3A_443, %mul3A_517 : vector<16xf32>
      %mul3A_519 = arith.constant 16 : i32
      %mul3A_520 = arith.muli %scan3A_24, %mul3A_519 : i32
      %add3A_521 = arith.constant 6 : i32
      %add3A_522 = arith.addi %mul3A_520, %add3A_521 : i32
      %get3A_523 = arith.index_cast %add3A_522 : i32 to index
      %get3A_524 = arith.constant 48 : index
      %get3A_525 = tpu.vector_load %arg11[%get3A_523, %get3A_524] {strides = array<i32>} : memref<512x128xf32, #tpu.memory_space<vmem>>, vector<16xf32>,
      %mul3A_526 = arith.mulf %gather3A_491, %get3A_525 : vector<16xf32>
      %add3A_527 = arith.addf %add3A_452, %mul3A_526 : vector<16xf32>
      %mul3A_528 = arith.constant 16 : i32
      %mul3A_529 = arith.muli %scan3A_24, %mul3A_528 : i32
      %add3A_530 = arith.constant 6 : i32
      %add3A_531 = arith.addi %mul3A_529, %add3A_530 : i32
      %get3A_532 = arith.index_cast %add3A_531 : i32 to index
      %get3A_533 = arith.constant 64 : index
      %get3A_534 = tpu.vector_load %arg11[%get3A_532, %get3A_533] {strides = array<i32>} : memref<512x128xf32, #tpu.memory_space<vmem>>, vector<16xf32>,
      %mul3A_535 = arith.mulf %gather3A_491, %get3A_534 : vector<16xf32>
      %add3A_536 = arith.addf %add3A_461, %mul3A_535 : vector<16xf32>
      %mul3A_537 = arith.constant 16 : i32
      %mul3A_538 = arith.muli %scan3A_24, %mul3A_537 : i32
      %add3A_539 = arith.constant 6 : i32
      %add3A_540 = arith.addi %mul3A_538, %add3A_539 : i32
      %get3A_541 = arith.index_cast %add3A_540 : i32 to index
      %get3A_542 = arith.constant 80 : index
      %get3A_543 = tpu.vector_load %arg11[%get3A_541, %get3A_542] {strides = array<i32>} : memref<512x128xf32, #tpu.memory_space<vmem>>, vector<16xf32>,
      %mul3A_544 = arith.mulf %gather3A_491, %get3A_543 : vector<16xf32>
      %add3A_545 = arith.addf %add3A_470, %mul3A_544 : vector<16xf32>
      %mul3A_546 = arith.constant 16 : i32
      %mul3A_547 = arith.muli %scan3A_24, %mul3A_546 : i32
      %add3A_548 = arith.constant 6 : i32
      %add3A_549 = arith.addi %mul3A_547, %add3A_548 : i32
      %get3A_550 = arith.index_cast %add3A_549 : i32 to index
      %get3A_551 = arith.constant 96 : index
      %get3A_552 = tpu.vector_load %arg11[%get3A_550, %get3A_551] {strides = array<i32>} : memref<512x128xf32, #tpu.memory_space<vmem>>, vector<16xf32>,
      %mul3A_553 = arith.mulf %gather3A_491, %get3A_552 : vector<16xf32>
      %add3A_554 = arith.addf %add3A_479, %mul3A_553 : vector<16xf32>
      %mul3A_555 = arith.constant 16 : i32
      %mul3A_556 = arith.muli %scan3A_24, %mul3A_555 : i32
      %add3A_557 = arith.constant 6 : i32
      %add3A_558 = arith.addi %mul3A_556, %add3A_557 : i32
      %get3A_559 = arith.index_cast %add3A_558 : i32 to index
      %get3A_560 = arith.constant 112 : index
      %get3A_561 = tpu.vector_load %arg11[%get3A_559, %get3A_560] {strides = array<i32>} : memref<512x128xf32, #tpu.memory_space<vmem>>, vector<16xf32>,
      %mul3A_562 = arith.mulf %gather3A_491, %get3A_561 : vector<16xf32>
      %add3A_563 = arith.addf %add3A_488, %mul3A_562 : vector<16xf32>
      %broadcast_in_dim3A_564 = arith.constant 7 : i32
      %broadcast_in_dim3A_565 = vector.broadcast %broadcast_in_dim3A_564 : i32 to vector<16xi32>
      %gather3A_566 = tpu.vector_load_idx %arg10[%broadcast_in_dim3A, %broadcast_in_dim3A_565] : memref<32x16xf32, #tpu.memory_space<vmem>>[vector<16xi32>, vector<16xi32>], vector<16xf32>,
      %mul3A_567 = arith.constant 16 : i32
      %mul3A_568 = arith.muli %scan3A_24, %mul3A_567 : i32
      %add3A_569 = arith.constant 7 : i32
      %add3A_570 = arith.addi %mul3A_568, %add3A_569 : i32
      %get3A_571 = arith.index_cast %add3A_570 : i32 to index
      %get3A_572 = arith.constant 0 : index
      %get3A_573 = tpu.vector_load %arg11[%get3A_571, %get3A_572] {strides = array<i32>} : memref<512x128xf32, #tpu.memory_space<vmem>>, vector<16xf32>,
      %mul3A_574 = arith.mulf %gather3A_566, %get3A_573 : vector<16xf32>
      %add3A_575 = arith.addf %add3A_500, %mul3A_574 : vector<16xf32>
      %mul3A_576 = arith.constant 16 : i32
      %mul3A_577 = arith.muli %scan3A_24, %mul3A_576 : i32
      %add3A_578 = arith.constant 7 : i32
      %add3A_579 = arith.addi %mul3A_577, %add3A_578 : i32
      %get3A_580 = arith.index_cast %add3A_579 : i32 to index
      %get3A_581 = arith.constant 16 : index
      %get3A_582 = tpu.vector_load %arg11[%get3A_580, %get3A_581] {strides = array<i32>} : memref<512x128xf32, #tpu.memory_space<vmem>>, vector<16xf32>,
      %mul3A_583 = arith.mulf %gather3A_566, %get3A_582 : vector<16xf32>
      %add3A_584 = arith.addf %add3A_509, %mul3A_583 : vector<16xf32>
      %mul3A_585 = arith.constant 16 : i32
      %mul3A_586 = arith.muli %scan3A_24, %mul3A_585 : i32
      %add3A_587 = arith.constant 7 : i32
      %add3A_588 = arith.addi %mul3A_586, %add3A_587 : i32
      %get3A_589 = arith.index_cast %add3A_588 : i32 to index
      %get3A_590 = arith.constant 32 : index
      %get3A_591 = tpu.vector_load %arg11[%get3A_589, %get3A_590] {strides = array<i32>} : memref<512x128xf32, #tpu.memory_space<vmem>>, vector<16xf32>,
      %mul3A_592 = arith.mulf %gather3A_566, %get3A_591 : vector<16xf32>
      %add3A_593 = arith.addf %add3A_518, %mul3A_592 : vector<16xf32>
      %mul3A_594 = arith.constant 16 : i32
      %mul3A_595 = arith.muli %scan3A_24, %mul3A_594 : i32
      %add3A_596 = arith.constant 7 : i32
      %add3A_597 = arith.addi %mul3A_595, %add3A_596 : i32
      %get3A_598 = arith.index_cast %add3A_597 : i32 to index
      %get3A_599 = arith.constant 48 : index
      %get3A_600 = tpu.vector_load %arg11[%get3A_598, %get3A_599] {strides = array<i32>} : memref<512x128xf32, #tpu.memory_space<vmem>>, vector<16xf32>,
      %mul3A_601 = arith.mulf %gather3A_566, %get3A_600 : vector<16xf32>
      %add3A_602 = arith.addf %add3A_527, %mul3A_601 : vector<16xf32>
      %mul3A_603 = arith.constant 16 : i32
      %mul3A_604 = arith.muli %scan3A_24, %mul3A_603 : i32
      %add3A_605 = arith.constant 7 : i32
      %add3A_606 = arith.addi %mul3A_604, %add3A_605 : i32
      %get3A_607 = arith.index_cast %add3A_606 : i32 to index
      %get3A_608 = arith.constant 64 : index
      %get3A_609 = tpu.vector_load %arg11[%get3A_607, %get3A_608] {strides = array<i32>} : memref<512x128xf32, #tpu.memory_space<vmem>>, vector<16xf32>,
      %mul3A_610 = arith.mulf %gather3A_566, %get3A_609 : vector<16xf32>
      %add3A_611 = arith.addf %add3A_536, %mul3A_610 : vector<16xf32>
      %mul3A_612 = arith.constant 16 : i32
      %mul3A_613 = arith.muli %scan3A_24, %mul3A_612 : i32
      %add3A_614 = arith.constant 7 : i32
      %add3A_615 = arith.addi %mul3A_613, %add3A_614 : i32
      %get3A_616 = arith.index_cast %add3A_615 : i32 to index
      %get3A_617 = arith.constant 80 : index
      %get3A_618 = tpu.vector_load %arg11[%get3A_616, %get3A_617] {strides = array<i32>} : memref<512x128xf32, #tpu.memory_space<vmem>>, vector<16xf32>,
      %mul3A_619 = arith.mulf %gather3A_566, %get3A_618 : vector<16xf32>
      %add3A_620 = arith.addf %add3A_545, %mul3A_619 : vector<16xf32>
      %mul3A_621 = arith.constant 16 : i32
      %mul3A_622 = arith.muli %scan3A_24, %mul3A_621 : i32
      %add3A_623 = arith.constant 7 : i32
      %add3A_624 = arith.addi %mul3A_622, %add3A_623 : i32
      %get3A_625 = arith.index_cast %add3A_624 : i32 to index
      %get3A_626 = arith.constant 96 : index
      %get3A_627 = tpu.vector_load %arg11[%get3A_625, %get3A_626] {strides = array<i32>} : memref<512x128xf32, #tpu.memory_space<vmem>>, vector<16xf32>,
      %mul3A_628 = arith.mulf %gather3A_566, %get3A_627 : vector<16xf32>
      %add3A_629 = arith.addf %add3A_554, %mul3A_628 : vector<16xf32>
      %mul3A_630 = arith.constant 16 : i32
      %mul3A_631 = arith.muli %scan3A_24, %mul3A_630 : i32
      %add3A_632 = arith.constant 7 : i32
      %add3A_633 = arith.addi %mul3A_631, %add3A_632 : i32
      %get3A_634 = arith.index_cast %add3A_633 : i32 to index
      %get3A_635 = arith.constant 112 : index
      %get3A_636 = tpu.vector_load %arg11[%get3A_634, %get3A_635] {strides = array<i32>} : memref<512x128xf32, #tpu.memory_space<vmem>>, vector<16xf32>,
      %mul3A_637 = arith.mulf %gather3A_566, %get3A_636 : vector<16xf32>
      %add3A_638 = arith.addf %add3A_563, %mul3A_637 : vector<16xf32>
      %broadcast_in_dim3A_639 = arith.constant 8 : i32
      %broadcast_in_dim3A_640 = vector.broadcast %broadcast_in_dim3A_639 : i32 to vector<16xi32>
      %gather3A_641 = tpu.vector_load_idx %arg10[%broadcast_in_dim3A, %broadcast_in_dim3A_640] : memref<32x16xf32, #tpu.memory_space<vmem>>[vector<16xi32>, vector<16xi32>], vector<16xf32>,
      %mul3A_642 = arith.constant 16 : i32
      %mul3A_643 = arith.muli %scan3A_24, %mul3A_642 : i32
      %add3A_644 = arith.constant 8 : i32
      %add3A_645 = arith.addi %mul3A_643, %add3A_644 : i32
      %get3A_646 = arith.index_cast %add3A_645 : i32 to index
      %get3A_647 = arith.constant 0 : index
      %get3A_648 = tpu.vector_load %arg11[%get3A_646, %get3A_647] {strides = array<i32>} : memref<512x128xf32, #tpu.memory_space<vmem>>, vector<16xf32>,
      %mul3A_649 = arith.mulf %gather3A_641, %get3A_648 : vector<16xf32>
      %add3A_650 = arith.addf %add3A_575, %mul3A_649 : vector<16xf32>
      %mul3A_651 = arith.constant 16 : i32
      %mul3A_652 = arith.muli %scan3A_24, %mul3A_651 : i32
      %add3A_653 = arith.constant 8 : i32
      %add3A_654 = arith.addi %mul3A_652, %add3A_653 : i32
      %get3A_655 = arith.index_cast %add3A_654 : i32 to index
      %get3A_656 = arith.constant 16 : index
      %get3A_657 = tpu.vector_load %arg11[%get3A_655, %get3A_656] {strides = array<i32>} : memref<512x128xf32, #tpu.memory_space<vmem>>, vector<16xf32>,
      %mul3A_658 = arith.mulf %gather3A_641, %get3A_657 : vector<16xf32>
      %add3A_659 = arith.addf %add3A_584, %mul3A_658 : vector<16xf32>
      %mul3A_660 = arith.constant 16 : i32
      %mul3A_661 = arith.muli %scan3A_24, %mul3A_660 : i32
      %add3A_662 = arith.constant 8 : i32
      %add3A_663 = arith.addi %mul3A_661, %add3A_662 : i32
      %get3A_664 = arith.index_cast %add3A_663 : i32 to index
      %get3A_665 = arith.constant 32 : index
      %get3A_666 = tpu.vector_load %arg11[%get3A_664, %get3A_665] {strides = array<i32>} : memref<512x128xf32, #tpu.memory_space<vmem>>, vector<16xf32>,
      %mul3A_667 = arith.mulf %gather3A_641, %get3A_666 : vector<16xf32>
      %add3A_668 = arith.addf %add3A_593, %mul3A_667 : vector<16xf32>
      %mul3A_669 = arith.constant 16 : i32
      %mul3A_670 = arith.muli %scan3A_24, %mul3A_669 : i32
      %add3A_671 = arith.constant 8 : i32
      %add3A_672 = arith.addi %mul3A_670, %add3A_671 : i32
      %get3A_673 = arith.index_cast %add3A_672 : i32 to index
      %get3A_674 = arith.constant 48 : index
      %get3A_675 = tpu.vector_load %arg11[%get3A_673, %get3A_674] {strides = array<i32>} : memref<512x128xf32, #tpu.memory_space<vmem>>, vector<16xf32>,
      %mul3A_676 = arith.mulf %gather3A_641, %get3A_675 : vector<16xf32>
      %add3A_677 = arith.addf %add3A_602, %mul3A_676 : vector<16xf32>
      %mul3A_678 = arith.constant 16 : i32
      %mul3A_679 = arith.muli %scan3A_24, %mul3A_678 : i32
      %add3A_680 = arith.constant 8 : i32
      %add3A_681 = arith.addi %mul3A_679, %add3A_680 : i32
      %get3A_682 = arith.index_cast %add3A_681 : i32 to index
      %get3A_683 = arith.constant 64 : index
      %get3A_684 = tpu.vector_load %arg11[%get3A_682, %get3A_683] {strides = array<i32>} : memref<512x128xf32, #tpu.memory_space<vmem>>, vector<16xf32>,
      %mul3A_685 = arith.mulf %gather3A_641, %get3A_684 : vector<16xf32>
      %add3A_686 = arith.addf %add3A_611, %mul3A_685 : vector<16xf32>
      %mul3A_687 = arith.constant 16 : i32
      %mul3A_688 = arith.muli %scan3A_24, %mul3A_687 : i32
      %add3A_689 = arith.constant 8 : i32
      %add3A_690 = arith.addi %mul3A_688, %add3A_689 : i32
      %get3A_691 = arith.index_cast %add3A_690 : i32 to index
      %get3A_692 = arith.constant 80 : index
      %get3A_693 = tpu.vector_load %arg11[%get3A_691, %get3A_692] {strides = array<i32>} : memref<512x128xf32, #tpu.memory_space<vmem>>, vector<16xf32>,
      %mul3A_694 = arith.mulf %gather3A_641, %get3A_693 : vector<16xf32>
      %add3A_695 = arith.addf %add3A_620, %mul3A_694 : vector<16xf32>
      %mul3A_696 = arith.constant 16 : i32
      %mul3A_697 = arith.muli %scan3A_24, %mul3A_696 : i32
      %add3A_698 = arith.constant 8 : i32
      %add3A_699 = arith.addi %mul3A_697, %add3A_698 : i32
      %get3A_700 = arith.index_cast %add3A_699 : i32 to index
      %get3A_701 = arith.constant 96 : index
      %get3A_702 = tpu.vector_load %arg11[%get3A_700, %get3A_701] {strides = array<i32>} : memref<512x128xf32, #tpu.memory_space<vmem>>, vector<16xf32>,
      %mul3A_703 = arith.mulf %gather3A_641, %get3A_702 : vector<16xf32>
      %add3A_704 = arith.addf %add3A_629, %mul3A_703 : vector<16xf32>
      %mul3A_705 = arith.constant 16 : i32
      %mul3A_706 = arith.muli %scan3A_24, %mul3A_705 : i32
      %add3A_707 = arith.constant 8 : i32
      %add3A_708 = arith.addi %mul3A_706, %add3A_707 : i32
      %get3A_709 = arith.index_cast %add3A_708 : i32 to index
      %get3A_710 = arith.constant 112 : index
      %get3A_711 = tpu.vector_load %arg11[%get3A_709, %get3A_710] {strides = array<i32>} : memref<512x128xf32, #tpu.memory_space<vmem>>, vector<16xf32>,
      %mul3A_712 = arith.mulf %gather3A_641, %get3A_711 : vector<16xf32>
      %add3A_713 = arith.addf %add3A_638, %mul3A_712 : vector<16xf32>
      %broadcast_in_dim3A_714 = arith.constant 9 : i32
      %broadcast_in_dim3A_715 = vector.broadcast %broadcast_in_dim3A_714 : i32 to vector<16xi32>
      %gather3A_716 = tpu.vector_load_idx %arg10[%broadcast_in_dim3A, %broadcast_in_dim3A_715] : memref<32x16xf32, #tpu.memory_space<vmem>>[vector<16xi32>, vector<16xi32>], vector<16xf32>,
      %mul3A_717 = arith.constant 16 : i32
      %mul3A_718 = arith.muli %scan3A_24, %mul3A_717 : i32
      %add3A_719 = arith.constant 9 : i32
      %add3A_720 = arith.addi %mul3A_718, %add3A_719 : i32
      %get3A_721 = arith.index_cast %add3A_720 : i32 to index
      %get3A_722 = arith.constant 0 : index
      %get3A_723 = tpu.vector_load %arg11[%get3A_721, %get3A_722] {strides = array<i32>} : memref<512x128xf32, #tpu.memory_space<vmem>>, vector<16xf32>,
      %mul3A_724 = arith.mulf %gather3A_716, %get3A_723 : vector<16xf32>
      %add3A_725 = arith.addf %add3A_650, %mul3A_724 : vector<16xf32>
      %mul3A_726 = arith.constant 16 : i32
      %mul3A_727 = arith.muli %scan3A_24, %mul3A_726 : i32
      %add3A_728 = arith.constant 9 : i32
      %add3A_729 = arith.addi %mul3A_727, %add3A_728 : i32
      %get3A_730 = arith.index_cast %add3A_729 : i32 to index
      %get3A_731 = arith.constant 16 : index
      %get3A_732 = tpu.vector_load %arg11[%get3A_730, %get3A_731] {strides = array<i32>} : memref<512x128xf32, #tpu.memory_space<vmem>>, vector<16xf32>,
      %mul3A_733 = arith.mulf %gather3A_716, %get3A_732 : vector<16xf32>
      %add3A_734 = arith.addf %add3A_659, %mul3A_733 : vector<16xf32>
      %mul3A_735 = arith.constant 16 : i32
      %mul3A_736 = arith.muli %scan3A_24, %mul3A_735 : i32
      %add3A_737 = arith.constant 9 : i32
      %add3A_738 = arith.addi %mul3A_736, %add3A_737 : i32
      %get3A_739 = arith.index_cast %add3A_738 : i32 to index
      %get3A_740 = arith.constant 32 : index
      %get3A_741 = tpu.vector_load %arg11[%get3A_739, %get3A_740] {strides = array<i32>} : memref<512x128xf32, #tpu.memory_space<vmem>>, vector<16xf32>,
      %mul3A_742 = arith.mulf %gather3A_716, %get3A_741 : vector<16xf32>
      %add3A_743 = arith.addf %add3A_668, %mul3A_742 : vector<16xf32>
      %mul3A_744 = arith.constant 16 : i32
      %mul3A_745 = arith.muli %scan3A_24, %mul3A_744 : i32
      %add3A_746 = arith.constant 9 : i32
      %add3A_747 = arith.addi %mul3A_745, %add3A_746 : i32
      %get3A_748 = arith.index_cast %add3A_747 : i32 to index
      %get3A_749 = arith.constant 48 : index
      %get3A_750 = tpu.vector_load %arg11[%get3A_748, %get3A_749] {strides = array<i32>} : memref<512x128xf32, #tpu.memory_space<vmem>>, vector<16xf32>,
      %mul3A_751 = arith.mulf %gather3A_716, %get3A_750 : vector<16xf32>
      %add3A_752 = arith.addf %add3A_677, %mul3A_751 : vector<16xf32>
      %mul3A_753 = arith.constant 16 : i32
      %mul3A_754 = arith.muli %scan3A_24, %mul3A_753 : i32
      %add3A_755 = arith.constant 9 : i32
      %add3A_756 = arith.addi %mul3A_754, %add3A_755 : i32
      %get3A_757 = arith.index_cast %add3A_756 : i32 to index
      %get3A_758 = arith.constant 64 : index
      %get3A_759 = tpu.vector_load %arg11[%get3A_757, %get3A_758] {strides = array<i32>} : memref<512x128xf32, #tpu.memory_space<vmem>>, vector<16xf32>,
      %mul3A_760 = arith.mulf %gather3A_716, %get3A_759 : vector<16xf32>
      %add3A_761 = arith.addf %add3A_686, %mul3A_760 : vector<16xf32>
      %mul3A_762 = arith.constant 16 : i32
      %mul3A_763 = arith.muli %scan3A_24, %mul3A_762 : i32
      %add3A_764 = arith.constant 9 : i32
      %add3A_765 = arith.addi %mul3A_763, %add3A_764 : i32
      %get3A_766 = arith.index_cast %add3A_765 : i32 to index
      %get3A_767 = arith.constant 80 : index
      %get3A_768 = tpu.vector_load %arg11[%get3A_766, %get3A_767] {strides = array<i32>} : memref<512x128xf32, #tpu.memory_space<vmem>>, vector<16xf32>,
      %mul3A_769 = arith.mulf %gather3A_716, %get3A_768 : vector<16xf32>
      %add3A_770 = arith.addf %add3A_695, %mul3A_769 : vector<16xf32>
      %mul3A_771 = arith.constant 16 : i32
      %mul3A_772 = arith.muli %scan3A_24, %mul3A_771 : i32
      %add3A_773 = arith.constant 9 : i32
      %add3A_774 = arith.addi %mul3A_772, %add3A_773 : i32
      %get3A_775 = arith.index_cast %add3A_774 : i32 to index
      %get3A_776 = arith.constant 96 : index
      %get3A_777 = tpu.vector_load %arg11[%get3A_775, %get3A_776] {strides = array<i32>} : memref<512x128xf32, #tpu.memory_space<vmem>>, vector<16xf32>,
      %mul3A_778 = arith.mulf %gather3A_716, %get3A_777 : vector<16xf32>
      %add3A_779 = arith.addf %add3A_704, %mul3A_778 : vector<16xf32>
      %mul3A_780 = arith.constant 16 : i32
      %mul3A_781 = arith.muli %scan3A_24, %mul3A_780 : i32
      %add3A_782 = arith.constant 9 : i32
      %add3A_783 = arith.addi %mul3A_781, %add3A_782 : i32
      %get3A_784 = arith.index_cast %add3A_783 : i32 to index
      %get3A_785 = arith.constant 112 : index
      %get3A_786 = tpu.vector_load %arg11[%get3A_784, %get3A_785] {strides = array<i32>} : memref<512x128xf32, #tpu.memory_space<vmem>>, vector<16xf32>,
      %mul3A_787 = arith.mulf %gather3A_716, %get3A_786 : vector<16xf32>
      %add3A_788 = arith.addf %add3A_713, %mul3A_787 : vector<16xf32>
      %broadcast_in_dim3A_789 = arith.constant 10 : i32
      %broadcast_in_dim3A_790 = vector.broadcast %broadcast_in_dim3A_789 : i32 to vector<16xi32>
      %gather3A_791 = tpu.vector_load_idx %arg10[%broadcast_in_dim3A, %broadcast_in_dim3A_790] : memref<32x16xf32, #tpu.memory_space<vmem>>[vector<16xi32>, vector<16xi32>], vector<16xf32>,
      %mul3A_792 = arith.constant 16 : i32
      %mul3A_793 = arith.muli %scan3A_24, %mul3A_792 : i32
      %add3A_794 = arith.constant 10 : i32
      %add3A_795 = arith.addi %mul3A_793, %add3A_794 : i32
      %get3A_796 = arith.index_cast %add3A_795 : i32 to index
      %get3A_797 = arith.constant 0 : index
      %get3A_798 = tpu.vector_load %arg11[%get3A_796, %get3A_797] {strides = array<i32>} : memref<512x128xf32, #tpu.memory_space<vmem>>, vector<16xf32>,
      %mul3A_799 = arith.mulf %gather3A_791, %get3A_798 : vector<16xf32>
      %add3A_800 = arith.addf %add3A_725, %mul3A_799 : vector<16xf32>
      %mul3A_801 = arith.constant 16 : i32
      %mul3A_802 = arith.muli %scan3A_24, %mul3A_801 : i32
      %add3A_803 = arith.constant 10 : i32
      %add3A_804 = arith.addi %mul3A_802, %add3A_803 : i32
      %get3A_805 = arith.index_cast %add3A_804 : i32 to index
      %get3A_806 = arith.constant 16 : index
      %get3A_807 = tpu.vector_load %arg11[%get3A_805, %get3A_806] {strides = array<i32>} : memref<512x128xf32, #tpu.memory_space<vmem>>, vector<16xf32>,
      %mul3A_808 = arith.mulf %gather3A_791, %get3A_807 : vector<16xf32>
      %add3A_809 = arith.addf %add3A_734, %mul3A_808 : vector<16xf32>
      %mul3A_810 = arith.constant 16 : i32
      %mul3A_811 = arith.muli %scan3A_24, %mul3A_810 : i32
      %add3A_812 = arith.constant 10 : i32
      %add3A_813 = arith.addi %mul3A_811, %add3A_812 : i32
      %get3A_814 = arith.index_cast %add3A_813 : i32 to index
      %get3A_815 = arith.constant 32 : index
      %get3A_816 = tpu.vector_load %arg11[%get3A_814, %get3A_815] {strides = array<i32>} : memref<512x128xf32, #tpu.memory_space<vmem>>, vector<16xf32>,
      %mul3A_817 = arith.mulf %gather3A_791, %get3A_816 : vector<16xf32>
      %add3A_818 = arith.addf %add3A_743, %mul3A_817 : vector<16xf32>
      %mul3A_819 = arith.constant 16 : i32
      %mul3A_820 = arith.muli %scan3A_24, %mul3A_819 : i32
      %add3A_821 = arith.constant 10 : i32
      %add3A_822 = arith.addi %mul3A_820, %add3A_821 : i32
      %get3A_823 = arith.index_cast %add3A_822 : i32 to index
      %get3A_824 = arith.constant 48 : index
      %get3A_825 = tpu.vector_load %arg11[%get3A_823, %get3A_824] {strides = array<i32>} : memref<512x128xf32, #tpu.memory_space<vmem>>, vector<16xf32>,
      %mul3A_826 = arith.mulf %gather3A_791, %get3A_825 : vector<16xf32>
      %add3A_827 = arith.addf %add3A_752, %mul3A_826 : vector<16xf32>
      %mul3A_828 = arith.constant 16 : i32
      %mul3A_829 = arith.muli %scan3A_24, %mul3A_828 : i32
      %add3A_830 = arith.constant 10 : i32
      %add3A_831 = arith.addi %mul3A_829, %add3A_830 : i32
      %get3A_832 = arith.index_cast %add3A_831 : i32 to index
      %get3A_833 = arith.constant 64 : index
      %get3A_834 = tpu.vector_load %arg11[%get3A_832, %get3A_833] {strides = array<i32>} : memref<512x128xf32, #tpu.memory_space<vmem>>, vector<16xf32>,
      %mul3A_835 = arith.mulf %gather3A_791, %get3A_834 : vector<16xf32>
      %add3A_836 = arith.addf %add3A_761, %mul3A_835 : vector<16xf32>
      %mul3A_837 = arith.constant 16 : i32
      %mul3A_838 = arith.muli %scan3A_24, %mul3A_837 : i32
      %add3A_839 = arith.constant 10 : i32
      %add3A_840 = arith.addi %mul3A_838, %add3A_839 : i32
      %get3A_841 = arith.index_cast %add3A_840 : i32 to index
      %get3A_842 = arith.constant 80 : index
      %get3A_843 = tpu.vector_load %arg11[%get3A_841, %get3A_842] {strides = array<i32>} : memref<512x128xf32, #tpu.memory_space<vmem>>, vector<16xf32>,
      %mul3A_844 = arith.mulf %gather3A_791, %get3A_843 : vector<16xf32>
      %add3A_845 = arith.addf %add3A_770, %mul3A_844 : vector<16xf32>
      %mul3A_846 = arith.constant 16 : i32
      %mul3A_847 = arith.muli %scan3A_24, %mul3A_846 : i32
      %add3A_848 = arith.constant 10 : i32
      %add3A_849 = arith.addi %mul3A_847, %add3A_848 : i32
      %get3A_850 = arith.index_cast %add3A_849 : i32 to index
      %get3A_851 = arith.constant 96 : index
      %get3A_852 = tpu.vector_load %arg11[%get3A_850, %get3A_851] {strides = array<i32>} : memref<512x128xf32, #tpu.memory_space<vmem>>, vector<16xf32>,
      %mul3A_853 = arith.mulf %gather3A_791, %get3A_852 : vector<16xf32>
      %add3A_854 = arith.addf %add3A_779, %mul3A_853 : vector<16xf32>
      %mul3A_855 = arith.constant 16 : i32
      %mul3A_856 = arith.muli %scan3A_24, %mul3A_855 : i32
      %add3A_857 = arith.constant 10 : i32
      %add3A_858 = arith.addi %mul3A_856, %add3A_857 : i32
      %get3A_859 = arith.index_cast %add3A_858 : i32 to index
      %get3A_860 = arith.constant 112 : index
      %get3A_861 = tpu.vector_load %arg11[%get3A_859, %get3A_860] {strides = array<i32>} : memref<512x128xf32, #tpu.memory_space<vmem>>, vector<16xf32>,
      %mul3A_862 = arith.mulf %gather3A_791, %get3A_861 : vector<16xf32>
      %add3A_863 = arith.addf %add3A_788, %mul3A_862 : vector<16xf32>
      %broadcast_in_dim3A_864 = arith.constant 11 : i32
      %broadcast_in_dim3A_865 = vector.broadcast %broadcast_in_dim3A_864 : i32 to vector<16xi32>
      %gather3A_866 = tpu.vector_load_idx %arg10[%broadcast_in_dim3A, %broadcast_in_dim3A_865] : memref<32x16xf32, #tpu.memory_space<vmem>>[vector<16xi32>, vector<16xi32>], vector<16xf32>,
      %mul3A_867 = arith.constant 16 : i32
      %mul3A_868 = arith.muli %scan3A_24, %mul3A_867 : i32
      %add3A_869 = arith.constant 11 : i32
      %add3A_870 = arith.addi %mul3A_868, %add3A_869 : i32
      %get3A_871 = arith.index_cast %add3A_870 : i32 to index
      %get3A_872 = arith.constant 0 : index
      %get3A_873 = tpu.vector_load %arg11[%get3A_871, %get3A_872] {strides = array<i32>} : memref<512x128xf32, #tpu.memory_space<vmem>>, vector<16xf32>,
      %mul3A_874 = arith.mulf %gather3A_866, %get3A_873 : vector<16xf32>
      %add3A_875 = arith.addf %add3A_800, %mul3A_874 : vector<16xf32>
      %mul3A_876 = arith.constant 16 : i32
      %mul3A_877 = arith.muli %scan3A_24, %mul3A_876 : i32
      %add3A_878 = arith.constant 11 : i32
      %add3A_879 = arith.addi %mul3A_877, %add3A_878 : i32
      %get3A_880 = arith.index_cast %add3A_879 : i32 to index
      %get3A_881 = arith.constant 16 : index
      %get3A_882 = tpu.vector_load %arg11[%get3A_880, %get3A_881] {strides = array<i32>} : memref<512x128xf32, #tpu.memory_space<vmem>>, vector<16xf32>,
      %mul3A_883 = arith.mulf %gather3A_866, %get3A_882 : vector<16xf32>
      %add3A_884 = arith.addf %add3A_809, %mul3A_883 : vector<16xf32>
      %mul3A_885 = arith.constant 16 : i32
      %mul3A_886 = arith.muli %scan3A_24, %mul3A_885 : i32
      %add3A_887 = arith.constant 11 : i32
      %add3A_888 = arith.addi %mul3A_886, %add3A_887 : i32
      %get3A_889 = arith.index_cast %add3A_888 : i32 to index
      %get3A_890 = arith.constant 32 : index
      %get3A_891 = tpu.vector_load %arg11[%get3A_889, %get3A_890] {strides = array<i32>} : memref<512x128xf32, #tpu.memory_space<vmem>>, vector<16xf32>,
      %mul3A_892 = arith.mulf %gather3A_866, %get3A_891 : vector<16xf32>
      %add3A_893 = arith.addf %add3A_818, %mul3A_892 : vector<16xf32>
      %mul3A_894 = arith.constant 16 : i32
      %mul3A_895 = arith.muli %scan3A_24, %mul3A_894 : i32
      %add3A_896 = arith.constant 11 : i32
      %add3A_897 = arith.addi %mul3A_895, %add3A_896 : i32
      %get3A_898 = arith.index_cast %add3A_897 : i32 to index
      %get3A_899 = arith.constant 48 : index
      %get3A_900 = tpu.vector_load %arg11[%get3A_898, %get3A_899] {strides = array<i32>} : memref<512x128xf32, #tpu.memory_space<vmem>>, vector<16xf32>,
      %mul3A_901 = arith.mulf %gather3A_866, %get3A_900 : vector<16xf32>
      %add3A_902 = arith.addf %add3A_827, %mul3A_901 : vector<16xf32>
      %mul3A_903 = arith.constant 16 : i32
      %mul3A_904 = arith.muli %scan3A_24, %mul3A_903 : i32
      %add3A_905 = arith.constant 11 : i32
      %add3A_906 = arith.addi %mul3A_904, %add3A_905 : i32
      %get3A_907 = arith.index_cast %add3A_906 : i32 to index
      %get3A_908 = arith.constant 64 : index
      %get3A_909 = tpu.vector_load %arg11[%get3A_907, %get3A_908] {strides = array<i32>} : memref<512x128xf32, #tpu.memory_space<vmem>>, vector<16xf32>,
      %mul3A_910 = arith.mulf %gather3A_866, %get3A_909 : vector<16xf32>
      %add3A_911 = arith.addf %add3A_836, %mul3A_910 : vector<16xf32>
      %mul3A_912 = arith.constant 16 : i32
      %mul3A_913 = arith.muli %scan3A_24, %mul3A_912 : i32
      %add3A_914 = arith.constant 11 : i32
      %add3A_915 = arith.addi %mul3A_913, %add3A_914 : i32
      %get3A_916 = arith.index_cast %add3A_915 : i32 to index
      %get3A_917 = arith.constant 80 : index
      %get3A_918 = tpu.vector_load %arg11[%get3A_916, %get3A_917] {strides = array<i32>} : memref<512x128xf32, #tpu.memory_space<vmem>>, vector<16xf32>,
      %mul3A_919 = arith.mulf %gather3A_866, %get3A_918 : vector<16xf32>
      %add3A_920 = arith.addf %add3A_845, %mul3A_919 : vector<16xf32>
      %mul3A_921 = arith.constant 16 : i32
      %mul3A_922 = arith.muli %scan3A_24, %mul3A_921 : i32
      %add3A_923 = arith.constant 11 : i32
      %add3A_924 = arith.addi %mul3A_922, %add3A_923 : i32
      %get3A_925 = arith.index_cast %add3A_924 : i32 to index
      %get3A_926 = arith.constant 96 : index
      %get3A_927 = tpu.vector_load %arg11[%get3A_925, %get3A_926] {strides = array<i32>} : memref<512x128xf32, #tpu.memory_space<vmem>>, vector<16xf32>,
      %mul3A_928 = arith.mulf %gather3A_866, %get3A_927 : vector<16xf32>
      %add3A_929 = arith.addf %add3A_854, %mul3A_928 : vector<16xf32>
      %mul3A_930 = arith.constant 16 : i32
      %mul3A_931 = arith.muli %scan3A_24, %mul3A_930 : i32
      %add3A_932 = arith.constant 11 : i32
      %add3A_933 = arith.addi %mul3A_931, %add3A_932 : i32
      %get3A_934 = arith.index_cast %add3A_933 : i32 to index
      %get3A_935 = arith.constant 112 : index
      %get3A_936 = tpu.vector_load %arg11[%get3A_934, %get3A_935] {strides = array<i32>} : memref<512x128xf32, #tpu.memory_space<vmem>>, vector<16xf32>,
      %mul3A_937 = arith.mulf %gather3A_866, %get3A_936 : vector<16xf32>
      %add3A_938 = arith.addf %add3A_863, %mul3A_937 : vector<16xf32>
      %broadcast_in_dim3A_939 = arith.constant 12 : i32
      %broadcast_in_dim3A_940 = vector.broadcast %broadcast_in_dim3A_939 : i32 to vector<16xi32>
      %gather3A_941 = tpu.vector_load_idx %arg10[%broadcast_in_dim3A, %broadcast_in_dim3A_940] : memref<32x16xf32, #tpu.memory_space<vmem>>[vector<16xi32>, vector<16xi32>], vector<16xf32>,
      %mul3A_942 = arith.constant 16 : i32
      %mul3A_943 = arith.muli %scan3A_24, %mul3A_942 : i32
      %add3A_944 = arith.constant 12 : i32
      %add3A_945 = arith.addi %mul3A_943, %add3A_944 : i32
      %get3A_946 = arith.index_cast %add3A_945 : i32 to index
      %get3A_947 = arith.constant 0 : index
      %get3A_948 = tpu.vector_load %arg11[%get3A_946, %get3A_947] {strides = array<i32>} : memref<512x128xf32, #tpu.memory_space<vmem>>, vector<16xf32>,
      %mul3A_949 = arith.mulf %gather3A_941, %get3A_948 : vector<16xf32>
      %add3A_950 = arith.addf %add3A_875, %mul3A_949 : vector<16xf32>
      %mul3A_951 = arith.constant 16 : i32
      %mul3A_952 = arith.muli %scan3A_24, %mul3A_951 : i32
      %add3A_953 = arith.constant 12 : i32
      %add3A_954 = arith.addi %mul3A_952, %add3A_953 : i32
      %get3A_955 = arith.index_cast %add3A_954 : i32 to index
      %get3A_956 = arith.constant 16 : index
      %get3A_957 = tpu.vector_load %arg11[%get3A_955, %get3A_956] {strides = array<i32>} : memref<512x128xf32, #tpu.memory_space<vmem>>, vector<16xf32>,
      %mul3A_958 = arith.mulf %gather3A_941, %get3A_957 : vector<16xf32>
      %add3A_959 = arith.addf %add3A_884, %mul3A_958 : vector<16xf32>
      %mul3A_960 = arith.constant 16 : i32
      %mul3A_961 = arith.muli %scan3A_24, %mul3A_960 : i32
      %add3A_962 = arith.constant 12 : i32
      %add3A_963 = arith.addi %mul3A_961, %add3A_962 : i32
      %get3A_964 = arith.index_cast %add3A_963 : i32 to index
      %get3A_965 = arith.constant 32 : index
      %get3A_966 = tpu.vector_load %arg11[%get3A_964, %get3A_965] {strides = array<i32>} : memref<512x128xf32, #tpu.memory_space<vmem>>, vector<16xf32>,
      %mul3A_967 = arith.mulf %gather3A_941, %get3A_966 : vector<16xf32>
      %add3A_968 = arith.addf %add3A_893, %mul3A_967 : vector<16xf32>
      %mul3A_969 = arith.constant 16 : i32
      %mul3A_970 = arith.muli %scan3A_24, %mul3A_969 : i32
      %add3A_971 = arith.constant 12 : i32
      %add3A_972 = arith.addi %mul3A_970, %add3A_971 : i32
      %get3A_973 = arith.index_cast %add3A_972 : i32 to index
      %get3A_974 = arith.constant 48 : index
      %get3A_975 = tpu.vector_load %arg11[%get3A_973, %get3A_974] {strides = array<i32>} : memref<512x128xf32, #tpu.memory_space<vmem>>, vector<16xf32>,
      %mul3A_976 = arith.mulf %gather3A_941, %get3A_975 : vector<16xf32>
      %add3A_977 = arith.addf %add3A_902, %mul3A_976 : vector<16xf32>
      %mul3A_978 = arith.constant 16 : i32
      %mul3A_979 = arith.muli %scan3A_24, %mul3A_978 : i32
      %add3A_980 = arith.constant 12 : i32
      %add3A_981 = arith.addi %mul3A_979, %add3A_980 : i32
      %get3A_982 = arith.index_cast %add3A_981 : i32 to index
      %get3A_983 = arith.constant 64 : index
      %get3A_984 = tpu.vector_load %arg11[%get3A_982, %get3A_983] {strides = array<i32>} : memref<512x128xf32, #tpu.memory_space<vmem>>, vector<16xf32>,
      %mul3A_985 = arith.mulf %gather3A_941, %get3A_984 : vector<16xf32>
      %add3A_986 = arith.addf %add3A_911, %mul3A_985 : vector<16xf32>
      %mul3A_987 = arith.constant 16 : i32
      %mul3A_988 = arith.muli %scan3A_24, %mul3A_987 : i32
      %add3A_989 = arith.constant 12 : i32
      %add3A_990 = arith.addi %mul3A_988, %add3A_989 : i32
      %get3A_991 = arith.index_cast %add3A_990 : i32 to index
      %get3A_992 = arith.constant 80 : index
      %get3A_993 = tpu.vector_load %arg11[%get3A_991, %get3A_992] {strides = array<i32>} : memref<512x128xf32, #tpu.memory_space<vmem>>, vector<16xf32>,
      %mul3A_994 = arith.mulf %gather3A_941, %get3A_993 : vector<16xf32>
      %add3A_995 = arith.addf %add3A_920, %mul3A_994 : vector<16xf32>
      %mul3A_996 = arith.constant 16 : i32
      %mul3A_997 = arith.muli %scan3A_24, %mul3A_996 : i32
      %add3A_998 = arith.constant 12 : i32
      %add3A_999 = arith.addi %mul3A_997, %add3A_998 : i32
      %get3A_1000 = arith.index_cast %add3A_999 : i32 to index
      %get3A_1001 = arith.constant 96 : index
      %get3A_1002 = tpu.vector_load %arg11[%get3A_1000, %get3A_1001] {strides = array<i32>} : memref<512x128xf32, #tpu.memory_space<vmem>>, vector<16xf32>,
      %mul3A_1003 = arith.mulf %gather3A_941, %get3A_1002 : vector<16xf32>
      %add3A_1004 = arith.addf %add3A_929, %mul3A_1003 : vector<16xf32>
      %mul3A_1005 = arith.constant 16 : i32
      %mul3A_1006 = arith.muli %scan3A_24, %mul3A_1005 : i32
      %add3A_1007 = arith.constant 12 : i32
      %add3A_1008 = arith.addi %mul3A_1006, %add3A_1007 : i32
      %get3A_1009 = arith.index_cast %add3A_1008 : i32 to index
      %get3A_1010 = arith.constant 112 : index
      %get3A_1011 = tpu.vector_load %arg11[%get3A_1009, %get3A_1010] {strides = array<i32>} : memref<512x128xf32, #tpu.memory_space<vmem>>, vector<16xf32>,
      %mul3A_1012 = arith.mulf %gather3A_941, %get3A_1011 : vector<16xf32>
      %add3A_1013 = arith.addf %add3A_938, %mul3A_1012 : vector<16xf32>
      %broadcast_in_dim3A_1014 = arith.constant 13 : i32
      %broadcast_in_dim3A_1015 = vector.broadcast %broadcast_in_dim3A_1014 : i32 to vector<16xi32>
      %gather3A_1016 = tpu.vector_load_idx %arg10[%broadcast_in_dim3A, %broadcast_in_dim3A_1015] : memref<32x16xf32, #tpu.memory_space<vmem>>[vector<16xi32>, vector<16xi32>], vector<16xf32>,
      %mul3A_1017 = arith.constant 16 : i32
      %mul3A_1018 = arith.muli %scan3A_24, %mul3A_1017 : i32
      %add3A_1019 = arith.constant 13 : i32
      %add3A_1020 = arith.addi %mul3A_1018, %add3A_1019 : i32
      %get3A_1021 = arith.index_cast %add3A_1020 : i32 to index
      %get3A_1022 = arith.constant 0 : index
      %get3A_1023 = tpu.vector_load %arg11[%get3A_1021, %get3A_1022] {strides = array<i32>} : memref<512x128xf32, #tpu.memory_space<vmem>>, vector<16xf32>,
      %mul3A_1024 = arith.mulf %gather3A_1016, %get3A_1023 : vector<16xf32>
      %add3A_1025 = arith.addf %add3A_950, %mul3A_1024 : vector<16xf32>
      %mul3A_1026 = arith.constant 16 : i32
      %mul3A_1027 = arith.muli %scan3A_24, %mul3A_1026 : i32
      %add3A_1028 = arith.constant 13 : i32
      %add3A_1029 = arith.addi %mul3A_1027, %add3A_1028 : i32
      %get3A_1030 = arith.index_cast %add3A_1029 : i32 to index
      %get3A_1031 = arith.constant 16 : index
      %get3A_1032 = tpu.vector_load %arg11[%get3A_1030, %get3A_1031] {strides = array<i32>} : memref<512x128xf32, #tpu.memory_space<vmem>>, vector<16xf32>,
      %mul3A_1033 = arith.mulf %gather3A_1016, %get3A_1032 : vector<16xf32>
      %add3A_1034 = arith.addf %add3A_959, %mul3A_1033 : vector<16xf32>
      %mul3A_1035 = arith.constant 16 : i32
      %mul3A_1036 = arith.muli %scan3A_24, %mul3A_1035 : i32
      %add3A_1037 = arith.constant 13 : i32
      %add3A_1038 = arith.addi %mul3A_1036, %add3A_1037 : i32
      %get3A_1039 = arith.index_cast %add3A_1038 : i32 to index
      %get3A_1040 = arith.constant 32 : index
      %get3A_1041 = tpu.vector_load %arg11[%get3A_1039, %get3A_1040] {strides = array<i32>} : memref<512x128xf32, #tpu.memory_space<vmem>>, vector<16xf32>,
      %mul3A_1042 = arith.mulf %gather3A_1016, %get3A_1041 : vector<16xf32>
      %add3A_1043 = arith.addf %add3A_968, %mul3A_1042 : vector<16xf32>
      %mul3A_1044 = arith.constant 16 : i32
      %mul3A_1045 = arith.muli %scan3A_24, %mul3A_1044 : i32
      %add3A_1046 = arith.constant 13 : i32
      %add3A_1047 = arith.addi %mul3A_1045, %add3A_1046 : i32
      %get3A_1048 = arith.index_cast %add3A_1047 : i32 to index
      %get3A_1049 = arith.constant 48 : index
      %get3A_1050 = tpu.vector_load %arg11[%get3A_1048, %get3A_1049] {strides = array<i32>} : memref<512x128xf32, #tpu.memory_space<vmem>>, vector<16xf32>,
      %mul3A_1051 = arith.mulf %gather3A_1016, %get3A_1050 : vector<16xf32>
      %add3A_1052 = arith.addf %add3A_977, %mul3A_1051 : vector<16xf32>
      %mul3A_1053 = arith.constant 16 : i32
      %mul3A_1054 = arith.muli %scan3A_24, %mul3A_1053 : i32
      %add3A_1055 = arith.constant 13 : i32
      %add3A_1056 = arith.addi %mul3A_1054, %add3A_1055 : i32
      %get3A_1057 = arith.index_cast %add3A_1056 : i32 to index
      %get3A_1058 = arith.constant 64 : index
      %get3A_1059 = tpu.vector_load %arg11[%get3A_1057, %get3A_1058] {strides = array<i32>} : memref<512x128xf32, #tpu.memory_space<vmem>>, vector<16xf32>,
      %mul3A_1060 = arith.mulf %gather3A_1016, %get3A_1059 : vector<16xf32>
      %add3A_1061 = arith.addf %add3A_986, %mul3A_1060 : vector<16xf32>
      %mul3A_1062 = arith.constant 16 : i32
      %mul3A_1063 = arith.muli %scan3A_24, %mul3A_1062 : i32
      %add3A_1064 = arith.constant 13 : i32
      %add3A_1065 = arith.addi %mul3A_1063, %add3A_1064 : i32
      %get3A_1066 = arith.index_cast %add3A_1065 : i32 to index
      %get3A_1067 = arith.constant 80 : index
      %get3A_1068 = tpu.vector_load %arg11[%get3A_1066, %get3A_1067] {strides = array<i32>} : memref<512x128xf32, #tpu.memory_space<vmem>>, vector<16xf32>,
      %mul3A_1069 = arith.mulf %gather3A_1016, %get3A_1068 : vector<16xf32>
      %add3A_1070 = arith.addf %add3A_995, %mul3A_1069 : vector<16xf32>
      %mul3A_1071 = arith.constant 16 : i32
      %mul3A_1072 = arith.muli %scan3A_24, %mul3A_1071 : i32
      %add3A_1073 = arith.constant 13 : i32
      %add3A_1074 = arith.addi %mul3A_1072, %add3A_1073 : i32
      %get3A_1075 = arith.index_cast %add3A_1074 : i32 to index
      %get3A_1076 = arith.constant 96 : index
      %get3A_1077 = tpu.vector_load %arg11[%get3A_1075, %get3A_1076] {strides = array<i32>} : memref<512x128xf32, #tpu.memory_space<vmem>>, vector<16xf32>,
      %mul3A_1078 = arith.mulf %gather3A_1016, %get3A_1077 : vector<16xf32>
      %add3A_1079 = arith.addf %add3A_1004, %mul3A_1078 : vector<16xf32>
      %mul3A_1080 = arith.constant 16 : i32
      %mul3A_1081 = arith.muli %scan3A_24, %mul3A_1080 : i32
      %add3A_1082 = arith.constant 13 : i32
      %add3A_1083 = arith.addi %mul3A_1081, %add3A_1082 : i32
      %get3A_1084 = arith.index_cast %add3A_1083 : i32 to index
      %get3A_1085 = arith.constant 112 : index
      %get3A_1086 = tpu.vector_load %arg11[%get3A_1084, %get3A_1085] {strides = array<i32>} : memref<512x128xf32, #tpu.memory_space<vmem>>, vector<16xf32>,
      %mul3A_1087 = arith.mulf %gather3A_1016, %get3A_1086 : vector<16xf32>
      %add3A_1088 = arith.addf %add3A_1013, %mul3A_1087 : vector<16xf32>
      %broadcast_in_dim3A_1089 = arith.constant 14 : i32
      %broadcast_in_dim3A_1090 = vector.broadcast %broadcast_in_dim3A_1089 : i32 to vector<16xi32>
      %gather3A_1091 = tpu.vector_load_idx %arg10[%broadcast_in_dim3A, %broadcast_in_dim3A_1090] : memref<32x16xf32, #tpu.memory_space<vmem>>[vector<16xi32>, vector<16xi32>], vector<16xf32>,
      %mul3A_1092 = arith.constant 16 : i32
      %mul3A_1093 = arith.muli %scan3A_24, %mul3A_1092 : i32
      %add3A_1094 = arith.constant 14 : i32
      %add3A_1095 = arith.addi %mul3A_1093, %add3A_1094 : i32
      %get3A_1096 = arith.index_cast %add3A_1095 : i32 to index
      %get3A_1097 = arith.constant 0 : index
      %get3A_1098 = tpu.vector_load %arg11[%get3A_1096, %get3A_1097] {strides = array<i32>} : memref<512x128xf32, #tpu.memory_space<vmem>>, vector<16xf32>,
      %mul3A_1099 = arith.mulf %gather3A_1091, %get3A_1098 : vector<16xf32>
      %add3A_1100 = arith.addf %add3A_1025, %mul3A_1099 : vector<16xf32>
      %mul3A_1101 = arith.constant 16 : i32
      %mul3A_1102 = arith.muli %scan3A_24, %mul3A_1101 : i32
      %add3A_1103 = arith.constant 14 : i32
      %add3A_1104 = arith.addi %mul3A_1102, %add3A_1103 : i32
      %get3A_1105 = arith.index_cast %add3A_1104 : i32 to index
      %get3A_1106 = arith.constant 16 : index
      %get3A_1107 = tpu.vector_load %arg11[%get3A_1105, %get3A_1106] {strides = array<i32>} : memref<512x128xf32, #tpu.memory_space<vmem>>, vector<16xf32>,
      %mul3A_1108 = arith.mulf %gather3A_1091, %get3A_1107 : vector<16xf32>
      %add3A_1109 = arith.addf %add3A_1034, %mul3A_1108 : vector<16xf32>
      %mul3A_1110 = arith.constant 16 : i32
      %mul3A_1111 = arith.muli %scan3A_24, %mul3A_1110 : i32
      %add3A_1112 = arith.constant 14 : i32
      %add3A_1113 = arith.addi %mul3A_1111, %add3A_1112 : i32
      %get3A_1114 = arith.index_cast %add3A_1113 : i32 to index
      %get3A_1115 = arith.constant 32 : index
      %get3A_1116 = tpu.vector_load %arg11[%get3A_1114, %get3A_1115] {strides = array<i32>} : memref<512x128xf32, #tpu.memory_space<vmem>>, vector<16xf32>,
      %mul3A_1117 = arith.mulf %gather3A_1091, %get3A_1116 : vector<16xf32>
      %add3A_1118 = arith.addf %add3A_1043, %mul3A_1117 : vector<16xf32>
      %mul3A_1119 = arith.constant 16 : i32
      %mul3A_1120 = arith.muli %scan3A_24, %mul3A_1119 : i32
      %add3A_1121 = arith.constant 14 : i32
      %add3A_1122 = arith.addi %mul3A_1120, %add3A_1121 : i32
      %get3A_1123 = arith.index_cast %add3A_1122 : i32 to index
      %get3A_1124 = arith.constant 48 : index
      %get3A_1125 = tpu.vector_load %arg11[%get3A_1123, %get3A_1124] {strides = array<i32>} : memref<512x128xf32, #tpu.memory_space<vmem>>, vector<16xf32>,
      %mul3A_1126 = arith.mulf %gather3A_1091, %get3A_1125 : vector<16xf32>
      %add3A_1127 = arith.addf %add3A_1052, %mul3A_1126 : vector<16xf32>
      %mul3A_1128 = arith.constant 16 : i32
      %mul3A_1129 = arith.muli %scan3A_24, %mul3A_1128 : i32
      %add3A_1130 = arith.constant 14 : i32
      %add3A_1131 = arith.addi %mul3A_1129, %add3A_1130 : i32
      %get3A_1132 = arith.index_cast %add3A_1131 : i32 to index
      %get3A_1133 = arith.constant 64 : index
      %get3A_1134 = tpu.vector_load %arg11[%get3A_1132, %get3A_1133] {strides = array<i32>} : memref<512x128xf32, #tpu.memory_space<vmem>>, vector<16xf32>,
      %mul3A_1135 = arith.mulf %gather3A_1091, %get3A_1134 : vector<16xf32>
      %add3A_1136 = arith.addf %add3A_1061, %mul3A_1135 : vector<16xf32>
      %mul3A_1137 = arith.constant 16 : i32
      %mul3A_1138 = arith.muli %scan3A_24, %mul3A_1137 : i32
      %add3A_1139 = arith.constant 14 : i32
      %add3A_1140 = arith.addi %mul3A_1138, %add3A_1139 : i32
      %get3A_1141 = arith.index_cast %add3A_1140 : i32 to index
      %get3A_1142 = arith.constant 80 : index
      %get3A_1143 = tpu.vector_load %arg11[%get3A_1141, %get3A_1142] {strides = array<i32>} : memref<512x128xf32, #tpu.memory_space<vmem>>, vector<16xf32>,
      %mul3A_1144 = arith.mulf %gather3A_1091, %get3A_1143 : vector<16xf32>
      %add3A_1145 = arith.addf %add3A_1070, %mul3A_1144 : vector<16xf32>
      %mul3A_1146 = arith.constant 16 : i32
      %mul3A_1147 = arith.muli %scan3A_24, %mul3A_1146 : i32
      %add3A_1148 = arith.constant 14 : i32
      %add3A_1149 = arith.addi %mul3A_1147, %add3A_1148 : i32
      %get3A_1150 = arith.index_cast %add3A_1149 : i32 to index
      %get3A_1151 = arith.constant 96 : index
      %get3A_1152 = tpu.vector_load %arg11[%get3A_1150, %get3A_1151] {strides = array<i32>} : memref<512x128xf32, #tpu.memory_space<vmem>>, vector<16xf32>,
      %mul3A_1153 = arith.mulf %gather3A_1091, %get3A_1152 : vector<16xf32>
      %add3A_1154 = arith.addf %add3A_1079, %mul3A_1153 : vector<16xf32>
      %mul3A_1155 = arith.constant 16 : i32
      %mul3A_1156 = arith.muli %scan3A_24, %mul3A_1155 : i32
      %add3A_1157 = arith.constant 14 : i32
      %add3A_1158 = arith.addi %mul3A_1156, %add3A_1157 : i32
      %get3A_1159 = arith.index_cast %add3A_1158 : i32 to index
      %get3A_1160 = arith.constant 112 : index
      %get3A_1161 = tpu.vector_load %arg11[%get3A_1159, %get3A_1160] {strides = array<i32>} : memref<512x128xf32, #tpu.memory_space<vmem>>, vector<16xf32>,
      %mul3A_1162 = arith.mulf %gather3A_1091, %get3A_1161 : vector<16xf32>
      %add3A_1163 = arith.addf %add3A_1088, %mul3A_1162 : vector<16xf32>
      %broadcast_in_dim3A_1164 = arith.constant 15 : i32
      %broadcast_in_dim3A_1165 = vector.broadcast %broadcast_in_dim3A_1164 : i32 to vector<16xi32>
      %gather3A_1166 = tpu.vector_load_idx %arg10[%broadcast_in_dim3A, %broadcast_in_dim3A_1165] : memref<32x16xf32, #tpu.memory_space<vmem>>[vector<16xi32>, vector<16xi32>], vector<16xf32>,
      %mul3A_1167 = arith.constant 16 : i32
      %mul3A_1168 = arith.muli %scan3A_24, %mul3A_1167 : i32
      %add3A_1169 = arith.constant 15 : i32
      %add3A_1170 = arith.addi %mul3A_1168, %add3A_1169 : i32
      %get3A_1171 = arith.index_cast %add3A_1170 : i32 to index
      %get3A_1172 = arith.constant 0 : index
      %get3A_1173 = tpu.vector_load %arg11[%get3A_1171, %get3A_1172] {strides = array<i32>} : memref<512x128xf32, #tpu.memory_space<vmem>>, vector<16xf32>,
      %mul3A_1174 = arith.mulf %gather3A_1166, %get3A_1173 : vector<16xf32>
      %add3A_1175 = arith.addf %add3A_1100, %mul3A_1174 : vector<16xf32>
      %mul3A_1176 = arith.constant 16 : i32
      %mul3A_1177 = arith.muli %scan3A_24, %mul3A_1176 : i32
      %add3A_1178 = arith.constant 15 : i32
      %add3A_1179 = arith.addi %mul3A_1177, %add3A_1178 : i32
      %get3A_1180 = arith.index_cast %add3A_1179 : i32 to index
      %get3A_1181 = arith.constant 16 : index
      %get3A_1182 = tpu.vector_load %arg11[%get3A_1180, %get3A_1181] {strides = array<i32>} : memref<512x128xf32, #tpu.memory_space<vmem>>, vector<16xf32>,
      %mul3A_1183 = arith.mulf %gather3A_1166, %get3A_1182 : vector<16xf32>
      %add3A_1184 = arith.addf %add3A_1109, %mul3A_1183 : vector<16xf32>
      %mul3A_1185 = arith.constant 16 : i32
      %mul3A_1186 = arith.muli %scan3A_24, %mul3A_1185 : i32
      %add3A_1187 = arith.constant 15 : i32
      %add3A_1188 = arith.addi %mul3A_1186, %add3A_1187 : i32
      %get3A_1189 = arith.index_cast %add3A_1188 : i32 to index
      %get3A_1190 = arith.constant 32 : index
      %get3A_1191 = tpu.vector_load %arg11[%get3A_1189, %get3A_1190] {strides = array<i32>} : memref<512x128xf32, #tpu.memory_space<vmem>>, vector<16xf32>,
      %mul3A_1192 = arith.mulf %gather3A_1166, %get3A_1191 : vector<16xf32>
      %add3A_1193 = arith.addf %add3A_1118, %mul3A_1192 : vector<16xf32>
      %mul3A_1194 = arith.constant 16 : i32
      %mul3A_1195 = arith.muli %scan3A_24, %mul3A_1194 : i32
      %add3A_1196 = arith.constant 15 : i32
      %add3A_1197 = arith.addi %mul3A_1195, %add3A_1196 : i32
      %get3A_1198 = arith.index_cast %add3A_1197 : i32 to index
      %get3A_1199 = arith.constant 48 : index
      %get3A_1200 = tpu.vector_load %arg11[%get3A_1198, %get3A_1199] {strides = array<i32>} : memref<512x128xf32, #tpu.memory_space<vmem>>, vector<16xf32>,
      %mul3A_1201 = arith.mulf %gather3A_1166, %get3A_1200 : vector<16xf32>
      %add3A_1202 = arith.addf %add3A_1127, %mul3A_1201 : vector<16xf32>
      %mul3A_1203 = arith.constant 16 : i32
      %mul3A_1204 = arith.muli %scan3A_24, %mul3A_1203 : i32
      %add3A_1205 = arith.constant 15 : i32
      %add3A_1206 = arith.addi %mul3A_1204, %add3A_1205 : i32
      %get3A_1207 = arith.index_cast %add3A_1206 : i32 to index
      %get3A_1208 = arith.constant 64 : index
      %get3A_1209 = tpu.vector_load %arg11[%get3A_1207, %get3A_1208] {strides = array<i32>} : memref<512x128xf32, #tpu.memory_space<vmem>>, vector<16xf32>,
      %mul3A_1210 = arith.mulf %gather3A_1166, %get3A_1209 : vector<16xf32>
      %add3A_1211 = arith.addf %add3A_1136, %mul3A_1210 : vector<16xf32>
      %mul3A_1212 = arith.constant 16 : i32
      %mul3A_1213 = arith.muli %scan3A_24, %mul3A_1212 : i32
      %add3A_1214 = arith.constant 15 : i32
      %add3A_1215 = arith.addi %mul3A_1213, %add3A_1214 : i32
      %get3A_1216 = arith.index_cast %add3A_1215 : i32 to index
      %get3A_1217 = arith.constant 80 : index
      %get3A_1218 = tpu.vector_load %arg11[%get3A_1216, %get3A_1217] {strides = array<i32>} : memref<512x128xf32, #tpu.memory_space<vmem>>, vector<16xf32>,
      %mul3A_1219 = arith.mulf %gather3A_1166, %get3A_1218 : vector<16xf32>
      %add3A_1220 = arith.addf %add3A_1145, %mul3A_1219 : vector<16xf32>
      %mul3A_1221 = arith.constant 16 : i32
      %mul3A_1222 = arith.muli %scan3A_24, %mul3A_1221 : i32
      %add3A_1223 = arith.constant 15 : i32
      %add3A_1224 = arith.addi %mul3A_1222, %add3A_1223 : i32
      %get3A_1225 = arith.index_cast %add3A_1224 : i32 to index
      %get3A_1226 = arith.constant 96 : index
      %get3A_1227 = tpu.vector_load %arg11[%get3A_1225, %get3A_1226] {strides = array<i32>} : memref<512x128xf32, #tpu.memory_space<vmem>>, vector<16xf32>,
      %mul3A_1228 = arith.mulf %gather3A_1166, %get3A_1227 : vector<16xf32>
      %add3A_1229 = arith.addf %add3A_1154, %mul3A_1228 : vector<16xf32>
      %mul3A_1230 = arith.constant 16 : i32
      %mul3A_1231 = arith.muli %scan3A_24, %mul3A_1230 : i32
      %add3A_1232 = arith.constant 15 : i32
      %add3A_1233 = arith.addi %mul3A_1231, %add3A_1232 : i32
      %get3A_1234 = arith.index_cast %add3A_1233 : i32 to index
      %get3A_1235 = arith.constant 112 : index
      %get3A_1236 = tpu.vector_load %arg11[%get3A_1234, %get3A_1235] {strides = array<i32>} : memref<512x128xf32, #tpu.memory_space<vmem>>, vector<16xf32>,
      %mul3A_1237 = arith.mulf %gather3A_1166, %get3A_1236 : vector<16xf32>
      %add3A_1238 = arith.addf %add3A_1163, %mul3A_1237 : vector<16xf32>
      %swap3A = arith.index_cast %scan3A_24 : i32 to index
      %swap3A_1239 = arith.constant 0 : index
      %swap3A_1240 = tpu.vector_load %arg12[%swap3A, %swap3A_1239] {strides = array<i32>} : memref<32x128xf32, #tpu.memory_space<vmem>>, vector<16xf32>,
      tpu.vector_store %arg12[%swap3A, %swap3A_1239], %add3A_1175 {strides = array<i32>} : memref<32x128xf32, #tpu.memory_space<vmem>>, vector<16xf32>,
      %swap3A_1241 = arith.index_cast %scan3A_24 : i32 to index
      %swap3A_1242 = arith.constant 16 : index
      %swap3A_1243 = tpu.vector_load %arg12[%swap3A_1241, %swap3A_1242] {strides = array<i32>} : memref<32x128xf32, #tpu.memory_space<vmem>>, vector<16xf32>,
      tpu.vector_store %arg12[%swap3A_1241, %swap3A_1242], %add3A_1184 {strides = array<i32>} : memref<32x128xf32, #tpu.memory_space<vmem>>, vector<16xf32>,
      %swap3A_1244 = arith.index_cast %scan3A_24 : i32 to index
      %swap3A_1245 = arith.constant 32 : index
      %swap3A_1246 = tpu.vector_load %arg12[%swap3A_1244, %swap3A_1245] {strides = array<i32>} : memref<32x128xf32, #tpu.memory_space<vmem>>, vector<16xf32>,
      tpu.vector_store %arg12[%swap3A_1244, %swap3A_1245], %add3A_1193 {strides = array<i32>} : memref<32x128xf32, #tpu.memory_space<vmem>>, vector<16xf32>,
      %swap3A_1247 = arith.index_cast %scan3A_24 : i32 to index
      %swap3A_1248 = arith.constant 48 : index
      %swap3A_1249 = tpu.vector_load %arg12[%swap3A_1247, %swap3A_1248] {strides = array<i32>} : memref<32x128xf32, #tpu.memory_space<vmem>>, vector<16xf32>,
      tpu.vector_store %arg12[%swap3A_1247, %swap3A_1248], %add3A_1202 {strides = array<i32>} : memref<32x128xf32, #tpu.memory_space<vmem>>, vector<16xf32>,
      %swap3A_1250 = arith.index_cast %scan3A_24 : i32 to index
      %swap3A_1251 = arith.constant 64 : index
      %swap3A_1252 = tpu.vector_load %arg12[%swap3A_1250, %swap3A_1251] {strides = array<i32>} : memref<32x128xf32, #tpu.memory_space<vmem>>, vector<16xf32>,
      tpu.vector_store %arg12[%swap3A_1250, %swap3A_1251], %add3A_1211 {strides = array<i32>} : memref<32x128xf32, #tpu.memory_space<vmem>>, vector<16xf32>,
      %swap3A_1253 = arith.index_cast %scan3A_24 : i32 to index
      %swap3A_1254 = arith.constant 80 : index
      %swap3A_1255 = tpu.vector_load %arg12[%swap3A_1253, %swap3A_1254] {strides = array<i32>} : memref<32x128xf32, #tpu.memory_space<vmem>>, vector<16xf32>,
      tpu.vector_store %arg12[%swap3A_1253, %swap3A_1254], %add3A_1220 {strides = array<i32>} : memref<32x128xf32, #tpu.memory_space<vmem>>, vector<16xf32>,
      %swap3A_1256 = arith.index_cast %scan3A_24 : i32 to index
      %swap3A_1257 = arith.constant 96 : index
      %swap3A_1258 = tpu.vector_load %arg12[%swap3A_1256, %swap3A_1257] {strides = array<i32>} : memref<32x128xf32, #tpu.memory_space<vmem>>, vector<16xf32>,
      tpu.vector_store %arg12[%swap3A_1256, %swap3A_1257], %add3A_1229 {strides = array<i32>} : memref<32x128xf32, #tpu.memory_space<vmem>>, vector<16xf32>,
      %swap3A_1259 = arith.index_cast %scan3A_24 : i32 to index
      %swap3A_1260 = arith.constant 112 : index
      %swap3A_1261 = tpu.vector_load %arg12[%swap3A_1259, %swap3A_1260] {strides = array<i32>} : memref<32x128xf32, #tpu.memory_space<vmem>>, vector<16xf32>,
      tpu.vector_store %arg12[%swap3A_1259, %swap3A_1260], %add3A_1238 {strides = array<i32>} : memref<32x128xf32, #tpu.memory_space<vmem>>, vector<16xf32>,
    }
    %scan3A_23 = arith.constant 32 : i32
    "tpu.region"() ({
      %run_scoped3A = tpu.sem_alloc : memref<!tpu.dma_semaphore, #tpu.memory_space<semaphore_mem>>
      %dma_start3A = arith.constant 0 : i32
      %dma_start3A_24 = tpu.memref_slice %arg6[%mul3A_2, %dma_start3A] : memref<1024x128xf32, #tpu.memory_space<hbm>> -> memref<32x128xf32, #tpu.memory_space<hbm>>
      %dma_start3A_25 = arith.constant 0 : i32
      %dma_start3A_26 = tpu.memref_slice %arg6[%mul3A_2, %dma_start3A_25] : memref<1024x128xf32, #tpu.memory_space<hbm>> -> memref<32x128xf32, #tpu.memory_space<hbm>>
      tpu.enqueue_dma source(%arg12 : memref<32x128xf32, #tpu.memory_space<vmem>>) target(%dma_start3A_26 : memref<32x128xf32, #tpu.memory_space<hbm>>) target_semaphore(%run_scoped3A : memref<!tpu.dma_semaphore, #tpu.memory_space<semaphore_mem>>)
      %dma_wait3A_27 = arith.constant 0 : i32
      %dma_wait3A_28 = tpu.memref_slice %arg6[%mul3A_2, %dma_wait3A_27] : memref<1024x128xf32, #tpu.memory_space<hbm>> -> memref<32x128xf32, #tpu.memory_space<hbm>>
      %dma_wait3A_29 = arith.constant 0 : i32
      %dma_wait3A_30 = tpu.memref_slice %arg6[%mul3A_2, %dma_wait3A_29] : memref<1024x128xf32, #tpu.memory_space<hbm>> -> memref<32x128xf32, #tpu.memory_space<hbm>>
      tpu.wait_dma2 semaphore(%run_scoped3A : memref<!tpu.dma_semaphore, #tpu.memory_space<semaphore_mem>>) src(%arg12 : memref<32x128xf32, #tpu.memory_space<vmem>>) dst(%dma_wait3A_30 : memref<32x128xf32, #tpu.memory_space<hbm>>)
      tpu.yield
    }) : () -> ()
    return
  }
}

module attributes {stable_mosaic.version = 14 : i64} {
  func.func @_dense_body(%arg0: i32, %arg1: memref<32x128xf32, #tpu.memory_space<vmem>>, %arg2: memref<6400x128xf32, #tpu.memory_space<vmem>>, %arg3: memref<32x256xf32, #tpu.memory_space<vmem>>, %arg4: memref<32x256xf32, #tpu.memory_space<vmem>>) attributes {dimension_semantics = [#tpu.dimension_semantics<arbitrary>], iteration_bounds = array<i64: 32>, scalar_prefetch = 0 : i64, scratch_operands = 0 : i64, tpu.core_type = #tpu.core_type<tc>, window_params = [{transform_indices = @transform_0, window_bounds = array<i64: 32, 128>}, {transform_indices = @transform_1, window_bounds = array<i64: 6400, 128>}, {transform_indices = @transform_2, window_bounds = array<i64: 32, 256>}, {transform_indices = @transform_3, window_bounds = array<i64: 32, 256>}]} {
    %get3A = arith.constant 0 : index
    %get3A_0 = arith.constant 0 : index
    %get3A_1 = vector.load %arg1[%get3A, %get3A_0] : memref<32x128xf32, #tpu.memory_space<vmem>>, vector<32x128xf32>
    %get3A_2 = arith.constant 0 : index
    %get3A_3 = arith.constant 0 : index
    %get3A_4 = vector.load %arg2[%get3A_2, %get3A_3] : memref<6400x128xf32, #tpu.memory_space<vmem>>, vector<6400x128xf32>
    %reshape3A = vector.shape_cast %get3A_4 : vector<6400x128xf32> to vector<32x200x128xf32>
    %mul3A = arith.mulf %get3A_1, %get3A_1 : vector<32x128xf32>
    %reduce_sum3A = arith.constant dense<0.000000e+00> : vector<32xf32>
    %reduce_sum3A_5 = vector.multi_reduction <add>, %mul3A, %reduce_sum3A [1] : vector<32x128xf32> to vector<32xf32>
    %broadcast_in_dim3A = vector.shape_cast %reduce_sum3A_5 : vector<32xf32> to vector<32x1xf32>
    %sqrt3A = math.sqrt %broadcast_in_dim3A : vector<32x1xf32>
    %max3A = arith.constant 9.99999996E-13 : f32
    %max3A_6 = vector.broadcast %max3A : f32 to vector<32x1xf32>
    %max3A_7 = arith.maximumf %sqrt3A, %max3A_6 : vector<32x1xf32>
    %div3A = arith.constant 1.000000e+00 : f32
    %div3A_8 = vector.broadcast %div3A : f32 to vector<32x1xf32>
    %div3A_9 = arith.divf %div3A_8, %max3A_7 : vector<32x1xf32>
    %mul3A_10 = arith.mulf %sqrt3A, %div3A_9 : vector<32x1xf32>
    %max3A_11 = arith.constant 9.99999993E-9 : f32
    %max3A_12 = vector.broadcast %max3A_11 : f32 to vector<32x1xf32>
    %max3A_13 = arith.maximumf %mul3A_10, %max3A_12 : vector<32x1xf32>
    %div3A_14 = arith.divf %div3A_9, %max3A_13 : vector<32x1xf32>
    %mul3A_15 = vector.broadcast %div3A_14 : vector<32x1xf32> to vector<32x128xf32>
    %mul3A_16 = arith.mulf %get3A_1, %mul3A_15 : vector<32x128xf32>
    %mul3A_17 = arith.mulf %reshape3A, %reshape3A : vector<32x200x128xf32>
    %reduce_sum3A_18 = arith.constant dense<0.000000e+00> : vector<32x200xf32>
    %reduce_sum3A_19 = vector.multi_reduction <add>, %mul3A_17, %reduce_sum3A_18 [2] : vector<32x200x128xf32> to vector<32x200xf32>
    %broadcast_in_dim3A_20 = vector.shape_cast %mul3A_16 : vector<32x128xf32> to vector<32x1x128xf32>
    %mul3A_21 = vector.broadcast %broadcast_in_dim3A_20 : vector<32x1x128xf32> to vector<32x200x128xf32>
    %mul3A_22 = arith.mulf %reshape3A, %mul3A_21 : vector<32x200x128xf32>
    %reduce_sum3A_23 = arith.constant dense<0.000000e+00> : vector<32x200xf32>
    %reduce_sum3A_24 = vector.multi_reduction <add>, %mul3A_22, %reduce_sum3A_23 [2] : vector<32x200x128xf32> to vector<32x200xf32>
    %sqrt3A_25 = math.sqrt %reduce_sum3A_19 : vector<32x200xf32>
    %max3A_26 = arith.constant 9.99999996E-13 : f32
    %max3A_27 = vector.broadcast %max3A_26 : f32 to vector<32x200xf32>
    %max3A_28 = arith.maximumf %sqrt3A_25, %max3A_27 : vector<32x200xf32>
    %div3A_29 = arith.constant 1.000000e+00 : f32
    %div3A_30 = vector.broadcast %div3A_29 : f32 to vector<32x200xf32>
    %div3A_31 = arith.divf %div3A_30, %max3A_28 : vector<32x200xf32>
    %mul3A_32 = arith.mulf %sqrt3A_25, %div3A_31 : vector<32x200xf32>
    %max3A_33 = arith.constant 9.99999993E-9 : f32
    %max3A_34 = vector.broadcast %max3A_33 : f32 to vector<32x200xf32>
    %max3A_35 = arith.maximumf %mul3A_32, %max3A_34 : vector<32x200xf32>
    %broadcast_in_dim3A_36 = arith.constant 0.000000e+00 : f32
    %broadcast_in_dim3A_37 = vector.broadcast %broadcast_in_dim3A_36 : f32 to vector<32x56xf32>
    %div3A_38 = arith.divf %div3A_31, %max3A_35 : vector<32x200xf32>
    %mul3A_39 = arith.mulf %reduce_sum3A_24, %div3A_38 : vector<32x200xf32>
    %concatenate3A = tpu.concatenate %mul3A_39, %broadcast_in_dim3A_37 in 1 : vector<32x200xf32>, vector<32x56xf32> -> vector<32x256xf32>
    %swap3A = arith.constant 0 : index
    %swap3A_40 = arith.constant 0 : index
    %swap3A_41 = vector.load %arg3[%swap3A, %swap3A_40] : memref<32x256xf32, #tpu.memory_space<vmem>>, vector<32x256xf32>
    tpu.vector_store %arg3[%swap3A, %swap3A_40], %concatenate3A {strides = array<i32>} : memref<32x256xf32, #tpu.memory_space<vmem>>, vector<32x256xf32>,
    %concatenate3A_42 = tpu.concatenate %div3A_31, %broadcast_in_dim3A_37 in 1 : vector<32x200xf32>, vector<32x56xf32> -> vector<32x256xf32>
    %swap3A_43 = arith.constant 0 : index
    %swap3A_44 = arith.constant 0 : index
    %swap3A_45 = vector.load %arg4[%swap3A_43, %swap3A_44] : memref<32x256xf32, #tpu.memory_space<vmem>>, vector<32x256xf32>
    tpu.vector_store %arg4[%swap3A_43, %swap3A_44], %concatenate3A_42 {strides = array<i32>} : memref<32x256xf32, #tpu.memory_space<vmem>>, vector<32x256xf32>,
    return
  }
  func.func @transform_0(%arg0: i32) -> (i32, i32) {
    %add3A = arith.constant 0 : i32
    %add3A_0 = arith.addi %arg0, %add3A : i32
    %c0_i32 = arith.constant 0 : i32
    %c0_i32_1 = arith.constant 0 : i32
    return %add3A_0, %c0_i32 : i32, i32
  }
  func.func @transform_1(%arg0: i32) -> (i32, i32) {
    %add3A = arith.constant 0 : i32
    %add3A_0 = arith.addi %arg0, %add3A : i32
    %c0_i32 = arith.constant 0 : i32
    %c0_i32_1 = arith.constant 0 : i32
    return %add3A_0, %c0_i32 : i32, i32
  }
  func.func @transform_2(%arg0: i32) -> (i32, i32) {
    %c0_i32 = arith.constant 0 : i32
    %c0_i32_0 = arith.constant 0 : i32
    return %arg0, %c0_i32 : i32, i32
  }
  func.func @transform_3(%arg0: i32) -> (i32, i32) {
    %c0_i32 = arith.constant 0 : i32
    %c0_i32_0 = arith.constant 0 : i32
    return %arg0, %c0_i32 : i32, i32
  }
}

</mosaic_0001>

<sc_bundles>
// kernel: kernel.4.cloned.1.call-start
scs
__scs_entry_jumppad:
0x0: {  	(pc) =	sbr.rel $0x88, $3  }
0x1: {  	(tag) =	ssettag $0x0;
	lr =	simm.s32 $0x1  }
0x2: {  	[smem:$0x3F9E] =	sst lr;
	_ =	strace $0xD0000000  }
0x3: {  	_ = 	snop  }
0x4: {  	_ = 	snop  }
0x5: {  	_ = 	snop  }
0x6: {  	_ = 	snop  }
0x7: {  	_ = 	snop  }
__scs_overlays_trampoline_lowered:
0x8: {  	[smem:$0x3FAD] =	sst s0  }
0x9: {  	[smem:$0x3FAE] =	sst s1  }
0xa: {  	[smem:$0x3FAF] =	sst s2  }
0xb: {  	[smem:$0x3FB0] =	sst s3  }
0xc: {  	[smem:$0x3FB1] =	sst s4  }
0xd: {  	[smem:$0x3FB2] =	sst s5  }
0xe: {  	[smem:$0x3FB3] =	sst s6  }
0xf: {  	[smem:$0x3FB4] =	sst s7  }
0x10: {  	[smem:$0x3FB5] =	sst s8  }
0x11: {  	[smem:$0x3FB6] =	sst s9;
	s0 =	simm.s32 @!p0 $0x0  }
0x12: {  	s1 =	sld [smem:$0x3F9C];
	s0 =	simm.s32 @p0 $0x1  }
0x13: {  	[smem:$0x3FB7] =	sst s0;
	s0 =	simm.s32 @!p1 $0x0  }
0x14: {  	s2 =	sld [smem:$0x3F9B];
	s0 =	simm.s32 @p1 $0x1  }
0x15: {  	[smem:$0x3FB8] =	sst s0;
	s0 =	simm.s32 @!p2 $0x0  }
0x16: {  	s3 =	sld [smem:$0x3FDB];
	s0 =	simm.s32 @p2 $0x1  }
0x17: {  	s4 =	simm.s32 $0x1BF5;
	[smem:$0x3FBA] =	sst s0  }
0x18: {  	s0 =	sld [smem:$0x3F9D];
	_ =	swait.ge [sflag:s4], $0x0  }
0x19: {  	s7 =	sld [smem:$0x3F9E]  }
0x1a: {  	s8 =	sadd.s32 $0xFFFFE003, lr  }
0x1b: {  	s9 =	sadd.s32 $0xFFFFFEF7, lr;
	s5 =	simm.s32 $0xFFFFFFFF;
	p2 =	slt.u32 s8, $0xFFFFF086  }
0x1c: {  	p1 =	slt.u32 s9, $0xF7A;
	s5 =	simm.s32 @!p2 $0x0  }
0x1d: {  	s5 =	simm.s32 @p1 $0x1;
	p0 =	seq.s32 s7, s2  }
0x1e: {  	s7 =	smul.u32 @!p0 $0xF7A, s2;
	p2 =	seq.s32 @!p0 s5, $0x0  }
0x1f: {  	s9 =	smul.u32 $0xF7A, s1;
	s8 =	simm.s32 @!p0 $0x1BF5;
	p2 =	por !p2, p0  }
0x20: {  	[sflag:s8] =	ssyncset.s32 @!p0 $0xFFFFF086;
	s6 =	sadd.s32 @!p0 s3, s7;
	s7 =	simm.s32 @!p0 $0x108  }
0x21: {  	s3 =	sadd.s32 s3, s9;
	s6 =	sadd.s32 @!p0 $0x88, s6;
	s7 =	simm.s32 @p2 $0x1082  }
0x22: {  	[simem:s7], [sflag:s8] =	dma.local @!p0 [hbm:s6], $0xF7A  }
0x23: {  	s9 =	sor.u32 $0xD0000000, s2;
	s6 =	simm.s32 $0x108;
	_ =	swait.ge @!p0 [sflag:s8], $0x0  }
0x24: {  	s3 =	sadd.s32 $0x88, s3;
	s6 =	simm.s32 @!p1 $0x1082;
	[sflag:s4] =	ssyncset.s32 $0xFFFFF086  }
0x25: {  	[simem:s6], [sflag:s4] =	dma.local [hbm:s3], $0xF7A  }
0x26: {  	[smem:$0x3F9E] =	sst s1;
	(tag) =	ssettag s2;
	_ =	strace s9  }
0x27: {  	s1 =	sld [smem:$0x3FAE]  }
0x28: {  	s2 =	sld [smem:$0x3FAF]  }
0x29: {  	s4 =	sld [smem:$0x3FB1]  }
0x2a: {  	p0 =	seq.s32 s5, $0x0;
	s5 =	sld [smem:$0x3FB2]  }
0x2b: {  	s6 =	sld [smem:$0x3FB3]  }
0x2c: {  	s7 =	sld [smem:$0x3FB4]  }
0x2d: {  	s3 =	simm.s32 $0x108;
	s8 =	sld [smem:$0x3FB5]  }
0x2e: {  	s3 =	simm.s32 @!p0 $0x1082;
	s9 =	sld [smem:$0x3FB6]  }
0x2f: {  	lr =	sadd.s32 s0, s3;
	s0 =	sld [smem:$0x3FAD]  }
0x30: {  	s3 =	sld [smem:$0x3FB0]  }
0x31: {  	[smem:$0x3FB9] =	sst s10  }
0x32: {  	s10 =	sld [smem:$0x3FB7];
	_ =	sdelay $0x3  }
0x33: {  	p0 =	seq.s32 s10, $0x1;
	s10 =	sld [smem:$0x3FB9];
	_ =	sdelay $0x3  }
0x34: {  	[smem:$0x3FB9] =	sst s10  }
0x35: {  	s10 =	sld [smem:$0x3FB8];
	_ =	sdelay $0x3  }
0x36: {  	p1 =	seq.s32 s10, $0x1;
	s10 =	sld [smem:$0x3FB9];
	_ =	sdelay $0x3  }
0x37: {  	[smem:$0x3FB9] =	sst s10  }
0x38: {  	s10 =	sld [smem:$0x3FBA]  }
0x39: {  	_ = 	snop;
	(pc) =	sbr.ind lr, $3  }
0x3a: {  	_ = 	snop  }
0x3b: {  	_ = 	snop  }
0x3c: {  	p2 =	seq.s32 s10, $0x1;
	s10 =	sld [smem:$0x3FB9]  }
0x3d: {  	_ =	shalt  }
0x3e: {  	_ =	shalt  }
0x3f: {  	_ =	shalt  }
0x40: {  	_ =	shalt  }
0x41: {  	_ =	shalt  }
0x42: {  	_ =	shalt  }
0x43: {  	_ =	shalt  }
0x44: {  	_ =	shalt  }
0x45: {  	_ =	shalt  }
0x46: {  	_ =	shalt  }
0x47: {  	_ =	shalt  }
0x48: {  	_ =	shalt  }
0x49: {  	_ =	shalt  }
0x4a: {  	_ =	shalt  }
0x4b: {  	_ =	shalt  }
0x4c: {  	_ =	shalt  }
0x4d: {  	_ =	shalt  }
0x4e: {  	_ =	shalt  }
0x4f: {  	_ =	shalt  }
0x50: {  	_ =	shalt  }
0x51: {  	_ =	shalt  }
0x52: {  	_ =	shalt  }
0x53: {  	_ =	shalt  }
0x54: {  	_ =	shalt  }
0x55: {  	_ =	shalt  }
0x56: {  	_ =	shalt  }
0x57: {  	_ =	shalt  }
0x58: {  	_ =	shalt  }
0x59: {  	_ =	shalt  }
0x5a: {  	_ =	shalt  }
0x5b: {  	_ =	shalt  }
0x5c: {  	_ =	shalt  }
0x5d: {  	_ =	shalt  }
0x5e: {  	_ =	shalt  }
0x5f: {  	_ =	shalt  }
0x60: {  	_ =	shalt  }
0x61: {  	_ =	shalt  }
0x62: {  	_ =	shalt  }
0x63: {  	_ =	shalt  }
0x64: {  	_ =	shalt  }
0x65: {  	_ =	shalt  }
0x66: {  	_ =	shalt  }
0x67: {  	_ =	shalt  }
0x68: {  	_ =	shalt  }
0x69: {  	_ =	shalt  }
0x6a: {  	_ =	shalt  }
0x6b: {  	_ =	shalt  }
0x6c: {  	_ =	shalt  }
0x6d: {  	_ =	shalt  }
0x6e: {  	_ =	shalt  }
0x6f: {  	_ =	shalt  }
0x70: {  	_ =	shalt  }
0x71: {  	_ =	shalt  }
0x72: {  	_ =	shalt  }
0x73: {  	_ =	shalt  }
0x74: {  	_ =	shalt  }
0x75: {  	_ =	shalt  }
0x76: {  	_ =	shalt  }
0x77: {  	_ =	shalt  }
0x78: {  	_ =	shalt  }
0x79: {  	_ =	shalt  }
0x7a: {  	_ =	shalt  }
0x7b: {  	_ =	shalt  }
0x7c: {  	_ =	shalt  }
0x7d: {  	_ =	shalt  }
0x7e: {  	_ =	shalt  }
0x7f: {  	_ =	shalt  }
0x80: {  	_ =	shalt  }
0x81: {  	_ =	shalt  }
0x82: {  	_ =	shalt  }
0x83: {  	_ =	shalt  }
0x84: {  	_ =	shalt  }
0x85: {  	_ =	shalt  }
0x86: {  	_ =	shalt  }
0x87: {  	_ =	shalt  }
.Lfunc_end0:
.L_simem_size_0:
called_computation_lowered:
.L_overlay_start_0:
0x88: {  	s2 =	sld [smem:$0x3FD9]  }
0x89: {  	s3 =	sld [smem:$0x3FFE];
	_ =	sdelay $0x1  }
0x8a: {  	s1 =	srdreg.scid  }
0x8b: {  	s0 =	sand.u32 $0x1, s1  }
0x8c: {  	s17 =	sshll.u32 s0, $0xA;
	s2 =	sadd.s32 s3, s2  }
0x8d: {  	s2 =	sadd.s32 s2, s17  }
0x8e: {  	[smem:$0x3FC5] =	sst s2  }
0x8f: {  	_ = 	snop  }
0x90: {  	s2 =	sld [smem:$0x3FC8]  }
0x91: {  	s18 =	sld [smem:$0x3FD0];
	(tm) =	ssettm $0x1  }
0x92: {  	s4 =	sld [smem:$0x3FFB];
	_ =	sdelay $0x3  }
0x93: {  	_ =	strace s4  }
0x94: {  	s4 =	sld [smem:$0x3FFC];
	_ =	sdelay $0x3  }
0x95: {  	_ =	strace s4  }
0x96: {  	s4 =	sld [smem:$0x3FFD];
	_ =	sdelay $0x3  }
0x97: {  	_ =	strace s4  }
0x98: {  	_ =	strace $0x8FFFFFFF  }
0x99: {  	s19 =	sld [smem:$0x3FDB];
	_ =	sdelay $0x1  }
0x9a: {  	s5 =	simm.s32 $_scs_section_size  }
0x9b: {  	s6 =	simm.s32 $_size__tile_overlayer_lowered;
	s7 =	simm.s32 $_tile_overlayer_lowered  }
0x9c: {  	s22 =	simm.s32 $0x1BFF;
	s21 =	sshll.u32 s7, $0x1;
	s4 =	sadd.s32 s5, s19  }
0x9d: {  	s8 =	simm.s32 $0x0;
	s20 =	sshll.u32 s6, $0x1;
	s6 =	sadd.s32 s21, s4  }
0x9e: {  	[timem:s8], [sflag:s22] =	dma.local [hbm:s6], s20  }
0x9f: {  	_ =	swait.ge [sflag:s22], s20  }
0xa0: {  	s5 =	ssub.s32 $0x0, s20;
	[sflag:s22] =	ssyncset.done $0x0  }
0xa1: {  	[sflag:s22] =	ssyncadd.s32 s5;
	_ =	sdelay $0x1  }
0xa2: {  	s23 =	simm.s32 $0x1B8B  }
0xa3: {  	_ =	swait.ge [sflag:s23], $0x1  }
0xa4: {  	[sflag:s23] =	ssyncset.done $0x0  }
0xa5: {  	s25 =	simm.s32 $0x1B8E;
	s24 =	sld [smem:$0x3FFE];
	[sflag:s23] =	ssyncadd.s32 $0xFFFFFFFF  }
0xa6: {  	s26 =	simm.s32 $execute0_lowered;
	[smem:$0x3FD2] =	sst s25  }
0xa7: {  	s6 =	sshll.u32 s26, $0x1;
	_ =	strace $0x80000046;
	[dreg:$0x1] =	wrdreg $0xFFFFFFFF  }
0xa8: {  	s28 =	simm.s32 $_size_execute0_lowered;
	s4 =	sadd.s32 s4, s6;
	[dreg:$0x0] =	wrdreg $0x0  }
0xa9: {  	s6 =	sshll.u32 s28, $0x1;
	[dreg:$0x2] =	wrdreg s4  }
0xaa: {  	[dreg:$0x3] =	wrdreg s6  }
0xab: {  	[dreg:$0x4] =	wrdreg $0xC0  }
0xac: {  	_ =	task [dreg:s8], $0x5FFFF  }
0xad: {  	[dreg:$0x1] =	wrdreg $0xFFFFFFFF  }
0xae: {  	[dreg:$0x0] =	wrdreg $0x60  }
0xaf: {  	[dreg:$0x2] =	wrdreg s24  }
0xb0: {  	[dreg:$0x3] =	wrdreg s2  }
0xb1: {  	[dreg:$0x4] =	wrdreg s18  }
0xb2: {  	[dreg:$0x5] =	wrdreg $0x9  }
0xb3: {  	_ =	task.clear_ibuf [dreg:s8], $0x6FFFF;
	_ =	strace $0x90000046  }
0xb4: {  	s29 =	simm.s32 $0x9;
	_ =	strace $0x80000048  }
0xb5: {  	_ =	swait.ge [sflag:s29], $0x1  }
0xb6: {  	[sflag:s29] =	ssyncadd.s32 $0xFFFFFFFF  }
0xb7: {  	_ =	strace $0x90000048  }
0xb8: {  	_ =	sfence  }
0xb9: {  	s30 =	sld [smem:$0x0];
	_ =	sdelay $0x2  }
0xba: {  	s31 =	sshll.u32 s1, $0xD;
	s1 =	sshrl.u32 s1, $0x2  }
0xbb: {  	s3 =	sand.u32 $0x4000, s31;
	s1 =	sadd.s32 s1, s30  }
0xbc: {  	s0 =	sor.u32 s3, s0;
	s1 =	sshll.u32 s1, $0x11  }
0xbd: {  	s0 =	sor.u32 s1, s0  }
0xbe: {  	s0 =	sadd.s32 $0x8F2B, s0  }
0xbf: {  	[sflag:s0] =	ssyncadd.remote.s32 $0x1  }
0xc0: {  	_ =	sfence.sel $0xFFFF  }
0xc1: {  	[dreg:$0x0] =	wrdreg $0xFFFFFFFF;
	(pc) =	sbr.abs _section_cstart, $3  }
0xc2: {  	[dreg:$0x1] =	wrdreg $0xFFFFFFFF  }
0xc3: {  	_ =	task.clear_ibuf [dreg:s8], $0x2FFFF;
	_ =	strace $0x9FFFFFFF  }
0xc4: {  	(tm) =	ssettm $0x7FFFFFFF  }
0xc5: {  	_ =	shalt  }
tec
execute0_lowered:
.L_overlay_start_1:
0x0: {  	(tag) =	ssettag $0x1  }
0x1: {  	s4 =	rddreg [dreg:$0x0]  }
0x2: {  	s2 =	rddreg [dreg:$0x1];
	s1 =	srdreg.scid  }
0x3: {  	s0 =	stileid.u32;
	s7 =	rddreg [dreg:$0x2];
	s3 =	simm.s32 $0x0  }
0x4: {  	s14 =	simm.s32 $0x16000;
	s5 =	sand.u32 $0x1, s1;
	s1 =	rddreg [dreg:$0x3]  }
0x5: {  	s15 =	simm.s32 $0x0;
	s6 =	sshll.u32 s0, $0x1;
	[smem:$0x7FF] =	sst s3  }
0x6: {  	s11 =	smul.u32 $0x3200, s0;
	s6 =	sor.u32 s5, s6;
	_ =	strace $0x80000047  }
0x7: {  	s9 =	ssub.s32 $0x2, s5;
	s13 =	smul.u32 $0x1900, s5;
	s8 =	sshll.u32 s6, $0xA  }
0x8: {  	v27 =	vlaneseq.u32;
	vm0 =	vmmov $0xffff;
	vm1 =	vmmov $0xff;
	s10 =	sshll.u32 s6, $0x9;
	s31 =	sshrl.u32 s9, $0x1;
	s8 =	sadd.s32 s8, s4  }
0x9: {  	v1 =	vor.u32 $0x10, v27;
	v2 =	vor.u32 $0x20, v27;
	v3 =	vor.u32 $0x30, v27;
	s12 =	sadd.s32 s10, s4;
	s9 =	ssub.s32 s9, s31;
	s7 =	sadd.s32 s7, s10  }
0xa: {  	v4 =	vor.u32 $0x40, v27;
	v5 =	vor.u32 $0x50, v27;
	v6 =	vor.u32 $0x60, v27;
	s10 =	simm.s32 $0x2;
	s4 =	sadd.s32 $0xA00, s8;
	s5 =	sadd.s32 $0x8A00, s8  }
0xb: {  	v7 =	vor.u32 $0x70, v27;
	v8 =	vor.u32 $0x80, v27;
	v9 =	vor.u32 $0x90, v27;
	s6 =	sadd.s32 $0x10A00, s12;
	s8 =	smax.u32 s9, $0x1;
	s9 =	sadd.s32 s13, s11  }
0xc: {  	v10 =	vor.u32 $0xA0, v27;
	v11 =	vor.u32 $0xB0, v27;
	v12 =	vor.u32 $0xC0, v27;
	s11 =	simm.s32 $0x2000;
	s12 =	simm.s32 $0x1;
	s13 =	simm.s32 $0x5000  }
.LBB2_1:
0xd: {  	[tilespmem:s3], [sflag:$0x2] =	stream.linear.gather [hbm4b:s4+s3], $0x2000, $0x38;
	[tilespmem:$0x17000] =	vst v63  }
0xe: {  	_ =	swait.ge [sflag:s10], $0x2000  }
0xf: {  	[sflag:s10] =	ssyncset.done $0x0  }
0x10: {  	[sflag:s10] =	ssyncadd.s32 $0xFFFFE000  }
0x11: {  	[tilespmem:s11], [sflag:$0x2] =	stream.linear.gather [hbm4b:s5+s3], $0x2000, $0x38;
	[tilespmem:$0x17000] =	vst v63  }
0x12: {  	_ =	swait.ge [sflag:s10], $0x2000  }
0x13: {  	[sflag:s10] =	ssyncset.done $0x0  }
0x14: {  	s16 =	simm.s32 $0x4000;
	[sflag:s10] =	ssyncadd.s32 $0xFFFFE000  }
0x15: {  	[tilespmem:s16], [sflag:$0x2] =	stream.linear.gather [hbm4b:s6+s3], $0x1000, $0x38;
	[tilespmem:$0x17000] =	vst v63  }
0x16: {  	_ =	swait.ge [sflag:s10], $0x1000  }
0x17: {  	[sflag:s10] =	ssyncset.done $0x0  }
0x18: {  	s17 =	simm.s32 $0x60;
	[sflag:s10] =	ssyncadd.s32 $0xFFFFF000  }
0x19: {  	v13 =	vld [tilespmem:s17+$0xFFFFFFB0]  }
0x1a: {  	v14 =	vld [tilespmem:s17+$0xFFFFFFA0];
	_ =	sdelay $0x3  }
0x1b: {  	(xrf1) =	vsort.ascd.msk.f32 $0xffff, v13, v1  }
0x1c: {  	(xrf1) =	vsort.dscd.msk.f32 $0xffff, v14, v27;
	_ =	sdelay $0xa  }
0x1d: {  	v13 =	vld [tilespmem:s17+$0xFFFFFFC0];
	_ =	sdelay $0x1  }
0x1e: {  	v14, v15, _ =	vpop (xrf1)  }
0x1f: {  	v16, v17, _ =	vpop (xrf1)  }
0x20: {  	vm2 =	vge.f32 v16, v14  }
0x21: {  	(xrf1) =	vsort.ascd.msk.f32 $0xffff, v13, v2;
	v14 =	vsel vm2, v16, v14;
	v15 =	vsel vm2, v17, v15  }
0x22: {  	(xrf1) =	vsort.dscd.msk.f32 $0xffff, v14, v15;
	_ =	sdelay $0xa  }
0x23: {  	v13 =	vld [tilespmem:s17+$0xFFFFFFD0];
	_ =	sdelay $0x1  }
0x24: {  	v14, v15, _ =	vpop (xrf1)  }
0x25: {  	v43, v44, _ =	vpop (xrf1)  }
0x26: {  	vm2 =	vge.f32 v43, v14  }
0x27: {  	(xrf1) =	vsort.ascd.msk.f32 $0xffff, v13, v3;
	v14 =	vsel vm2, v43, v14;
	v15 =	vsel vm2, v44, v15  }
0x28: {  	(xrf1) =	vsort.dscd.msk.f32 $0xffff, v14, v15;
	_ =	sdelay $0xa  }
0x29: {  	v13 =	vld [tilespmem:s17+$0xFFFFFFE0];
	_ =	sdelay $0x1  }
0x2a: {  	v14, v15, _ =	vpop (xrf1)  }
0x2b: {  	v45, v46, _ =	vpop (xrf1)  }
0x2c: {  	vm2 =	vge.f32 v45, v14  }
0x2d: {  	(xrf1) =	vsort.ascd.msk.f32 $0xffff, v13, v4;
	v14 =	vsel vm2, v45, v14;
	v15 =	vsel vm2, v46, v15  }
0x2e: {  	(xrf1) =	vsort.dscd.msk.f32 $0xffff, v14, v15;
	_ =	sdelay $0xa  }
0x2f: {  	v13 =	vld [tilespmem:s17+$0xFFFFFFF0];
	_ =	sdelay $0x1  }
0x30: {  	v14, v15, _ =	vpop (xrf1)  }
0x31: {  	v47, v48, _ =	vpop (xrf1)  }
0x32: {  	vm2 =	vge.f32 v47, v14  }
0x33: {  	(xrf1) =	vsort.ascd.msk.f32 $0xffff, v13, v5;
	v14 =	vsel vm2, v47, v14;
	v15 =	vsel vm2, v48, v15  }
0x34: {  	(xrf1) =	vsort.dscd.msk.f32 $0xffff, v14, v15;
	_ =	sdelay $0xa  }
0x35: {  	v13 =	vld [tilespmem:s17+$0x0];
	_ =	sdelay $0x1  }
0x36: {  	v14, v15, _ =	vpop (xrf1)  }
0x37: {  	v49, v50, _ =	vpop (xrf1)  }
0x38: {  	vm2 =	vge.f32 v49, v14  }
0x39: {  	(xrf1) =	vsort.ascd.msk.f32 $0xffff, v13, v6;
	v14 =	vsel vm2, v49, v14;
	v15 =	vsel vm2, v50, v15  }
0x3a: {  	(xrf1) =	vsort.dscd.msk.f32 $0xffff, v14, v15;
	_ =	sdelay $0xa  }
0x3b: {  	v13 =	vld [tilespmem:s17+$0x10];
	_ =	sdelay $0x1  }
0x3c: {  	v14, v15, _ =	vpop (xrf1)  }
0x3d: {  	v51, v52, _ =	vpop (xrf1)  }
0x3e: {  	vm2 =	vge.f32 v51, v14  }
0x3f: {  	(xrf1) =	vsort.ascd.msk.f32 $0xffff, v13, v7;
	v14 =	vsel vm2, v51, v14;
	v15 =	vsel vm2, v52, v15  }
0x40: {  	(xrf1) =	vsort.dscd.msk.f32 $0xffff, v14, v15;
	_ =	sdelay $0xa  }
0x41: {  	v13 =	vld [tilespmem:s17+$0x20];
	_ =	sdelay $0x1  }
0x42: {  	v14, v15, _ =	vpop (xrf1)  }
0x43: {  	v53, v54, _ =	vpop (xrf1)  }
0x44: {  	vm2 =	vge.f32 v53, v14  }
0x45: {  	(xrf1) =	vsort.ascd.msk.f32 $0xffff, v13, v8;
	v14 =	vsel vm2, v53, v14;
	v15 =	vsel vm2, v54, v15  }
0x46: {  	(xrf1) =	vsort.dscd.msk.f32 $0xffff, v14, v15;
	_ =	sdelay $0xa  }
0x47: {  	v13 =	vld [tilespmem:s17+$0x30];
	_ =	sdelay $0x1  }
0x48: {  	v14, v15, _ =	vpop (xrf1)  }
0x49: {  	v55, v56, _ =	vpop (xrf1)  }
0x4a: {  	vm2 =	vge.f32 v55, v14  }
0x4b: {  	(xrf1) =	vsort.ascd.msk.f32 $0xffff, v13, v9;
	v14 =	vsel vm2, v55, v14;
	v15 =	vsel vm2, v56, v15  }
0x4c: {  	(xrf1) =	vsort.dscd.msk.f32 $0xffff, v14, v15;
	_ =	sdelay $0xa  }
0x4d: {  	v13 =	vld [tilespmem:s17+$0x40];
	_ =	sdelay $0x1  }
0x4e: {  	v14, v15, _ =	vpop (xrf1)  }
0x4f: {  	v57, v58, _ =	vpop (xrf1)  }
0x50: {  	vm2 =	vge.f32 v57, v14  }
0x51: {  	(xrf1) =	vsort.ascd.msk.f32 $0xffff, v13, v10;
	v14 =	vsel vm2, v57, v14;
	v15 =	vsel vm2, v58, v15  }
0x52: {  	(xrf1) =	vsort.dscd.msk.f32 $0xffff, v14, v15;
	_ =	sdelay $0xa  }
0x53: {  	v13 =	vld [tilespmem:s17+$0x50];
	_ =	sdelay $0x1  }
0x54: {  	v14, v15, _ =	vpop (xrf1)  }
0x55: {  	v59, v60, _ =	vpop (xrf1)  }
0x56: {  	vm2 =	vge.f32 v59, v14  }
0x57: {  	(xrf1) =	vsort.ascd.msk.f32 $0xffff, v13, v11;
	v14 =	vsel vm2, v59, v14;
	v15 =	vsel vm2, v60, v15  }
0x58: {  	(xrf1) =	vsort.dscd.msk.f32 $0xffff, v14, v15;
	_ =	sdelay $0x8  }
0x59: {  	v13 =	vld [tilespmem:s16+$0x0]  }
0x5a: {  	v14 =	vld [tilespmem:s17+$0x60];
	_ =	sdelay $0x2  }
0x5b: {  	v15, v61, _ =	vpop (xrf1)  }
0x5c: {  	(xrf0) =	vmax.scan.msk.f32 $0xffff, v13;
	v62, v18, _ =	vpop (xrf1)  }
0x5d: {  	v14 =	vnsel vm1, $0xFF800000, v14;
	vm2 =	vge.f32 v62, v15  }
0x5e: {  	(xrf1) =	vsort.ascd.msk.f32 $0xffff, v14, v12;
	v15 =	vsel vm2, v62, v15;
	v16 =	vsel vm2, v18, v61  }
0x5f: {  	(xrf1) =	vsort.dscd.msk.f32 $0xffff, v15, v16;
	_ =	sdelay $0x2  }
0x60: {  	v14, _, _ =	vpop (xrf0)  }
0x61: {  	v14 =	vbroadcast v14, $0xF;
	_ =	sdelay $0x1  }
0x62: {  	v13 =	vsub.f32 v13, v14;
	_ =	sdelay $0x1  }
0x63: {  	v13 =	vmul.f32 $1.442695020e+00, v13;
	_ =	sdelay $0x1  }
0x64: {  	(erf) = vpow2.f32 v13;
	_ =	sdelay $0x2  }
0x65: {  	v13, v14, _ =	vpop (xrf1)  }
0x66: {  	v15, v16, _ =	vpop (xrf1)  }
0x67: {  	vm2 =	vge.f32 v15, v13  }
0x68: {  	v13 =	vsel vm2, v15, v13;
	_ =	sdelay $0x1  }
0x69: {  	v14 =	vsel vm2, v16, v14  }
0x6a: {  	(xrf1) =	vsort.dscd.msk.f32 $0xffff, v13, v14;
	v13 =	vpop (erf)  }
0x6b: {  	(xrf2) =	vadd.scan.msk.f32 $0xffff, v13;
	_ =	sdelay $0x9  }
0x6c: {  	v14, _, _ =	vpop (xrf2)  }
0x6d: {  	v14 =	vbroadcast v14, $0xF;
	_ =	sdelay $0x3  }
0x6e: {  	(erf) = vrcp.f32 v14  }
0x6f: {  	_, v14, _ =	vpop (xrf1)  }
0x70: {  	v15 =	vadd.s32 s3, v14;
	_ =	sdelay $0x4  }
0x71: {  	v15 =	vld.idx.msk [tilespmem:v15+s11+$0x0], $0xffff;
	_ =	sdelay $0x1  }
0x72: {  	v63 =	vpop (erf)  }
0x73: {  	v14 =	vadd.s32 s9, v14;
	v13 =	vmul.f32 v63, v13;
	_ =	sdelay $0x1  }
0x74: {  	v13 =	vmul.f32 v13, v15;
	_ =	sdelay $0x1  }
0x75: {  	s21 =	simm.s32 $0x160;
	s17 =	simm.s32 $0x6000;
	[tilespmem:s13+$0x0] =	vst v13  }
0x76: {  	[tilespmem:s17], [sflag:$0x1] =	stream.indirect_vreg.gather [hbm4b:s2+s3], $0x80, v14, vm0, $0xb8;
	[tilespmem:$0x17000] =	vst v63  }
0x77: {  	s20 =	simm.s32 $0x100;
	v13 =	vld [tilespmem:s21+$0xFFFFFFB0]  }
0x78: {  	s22 =	simm.s32 $0x200;
	s19 =	smov.u32 s9;
	s18 =	simm.s32 $0x5000;
	v14 =	vld [tilespmem:s21+$0xFFFFFFA0]  }
.LBB2_2:
0x79: {  	p0 =	sne.s32 s22, $0x1F00;
	_ =	sdelay $0x2  }
0x7a: {  	(xrf1) =	vsort.ascd.msk.f32 $0xffff, v13, v1  }
0x7b: {  	(xrf1) =	vsort.dscd.msk.f32 $0xffff, v14, v27;
	_ =	sdelay $0xa  }
0x7c: {  	v13 =	vld [tilespmem:s21+$0xFFFFFFC0];
	_ =	sdelay $0x1  }
0x7d: {  	v14, v15, _ =	vpop (xrf1)  }
0x7e: {  	v16, v17, _ =	vpop (xrf1)  }
0x7f: {  	vm2 =	vge.f32 v16, v14  }
0x80: {  	v14 =	vsel vm2, v16, v14;
	v15 =	vsel vm2, v17, v15;
	(xrf1) =	vsort.ascd.msk.f32 $0xffff, v13, v2  }
0x81: {  	(xrf1) =	vsort.dscd.msk.f32 $0xffff, v14, v15;
	_ =	sdelay $0xa  }
0x82: {  	v13 =	vld [tilespmem:s21+$0xFFFFFFD0];
	_ =	sdelay $0x1  }
0x83: {  	v14, v15, _ =	vpop (xrf1)  }
0x84: {  	v16, v17, _ =	vpop (xrf1)  }
0x85: {  	vm2 =	vge.f32 v16, v14  }
0x86: {  	v14 =	vsel vm2, v16, v14;
	v15 =	vsel vm2, v17, v15;
	(xrf1) =	vsort.ascd.msk.f32 $0xffff, v13, v3  }
0x87: {  	(xrf1) =	vsort.dscd.msk.f32 $0xffff, v14, v15;
	_ =	sdelay $0xa  }
0x88: {  	v13 =	vld [tilespmem:s21+$0xFFFFFFE0];
	_ =	sdelay $0x1  }
0x89: {  	v14, v15, _ =	vpop (xrf1)  }
0x8a: {  	v16, v17, _ =	vpop (xrf1)  }
0x8b: {  	vm2 =	vge.f32 v16, v14  }
0x8c: {  	v14 =	vsel vm2, v16, v14;
	v15 =	vsel vm2, v17, v15;
	(xrf1) =	vsort.ascd.msk.f32 $0xffff, v13, v4  }
0x8d: {  	(xrf1) =	vsort.dscd.msk.f32 $0xffff, v14, v15;
	_ =	sdelay $0xa  }
0x8e: {  	v13 =	vld [tilespmem:s21+$0xFFFFFFF0];
	_ =	sdelay $0x1  }
0x8f: {  	v14, v15, _ =	vpop (xrf1)  }
0x90: {  	v16, v17, _ =	vpop (xrf1)  }
0x91: {  	vm2 =	vge.f32 v16, v14  }
0x92: {  	v14 =	vsel vm2, v16, v14;
	v15 =	vsel vm2, v17, v15;
	(xrf1) =	vsort.ascd.msk.f32 $0xffff, v13, v5  }
0x93: {  	(xrf1) =	vsort.dscd.msk.f32 $0xffff, v14, v15;
	_ =	sdelay $0xa  }
0x94: {  	v13 =	vld [tilespmem:s21+$0x0];
	_ =	sdelay $0x1  }
0x95: {  	v14, v15, _ =	vpop (xrf1)  }
0x96: {  	v16, v17, _ =	vpop (xrf1)  }
0x97: {  	vm2 =	vge.f32 v16, v14  }
0x98: {  	v14 =	vsel vm2, v16, v14;
	v15 =	vsel vm2, v17, v15;
	(xrf1) =	vsort.ascd.msk.f32 $0xffff, v13, v6  }
0x99: {  	(xrf1) =	vsort.dscd.msk.f32 $0xffff, v14, v15;
	_ =	sdelay $0xa  }
0x9a: {  	v13 =	vld [tilespmem:s21+$0x10];
	_ =	sdelay $0x1  }
0x9b: {  	v14, v15, _ =	vpop (xrf1)  }
0x9c: {  	v16, v17, _ =	vpop (xrf1)  }
0x9d: {  	vm2 =	vge.f32 v16, v14  }
0x9e: {  	v14 =	vsel vm2, v16, v14;
	v15 =	vsel vm2, v17, v15;
	(xrf1) =	vsort.ascd.msk.f32 $0xffff, v13, v7  }
0x9f: {  	(xrf1) =	vsort.dscd.msk.f32 $0xffff, v14, v15;
	_ =	sdelay $0xa  }
0xa0: {  	v13 =	vld [tilespmem:s21+$0x20];
	_ =	sdelay $0x1  }
0xa1: {  	v14, v15, _ =	vpop (xrf1)  }
0xa2: {  	v16, v17, _ =	vpop (xrf1)  }
0xa3: {  	vm2 =	vge.f32 v16, v14  }
0xa4: {  	v14 =	vsel vm2, v16, v14;
	v15 =	vsel vm2, v17, v15;
	(xrf1) =	vsort.ascd.msk.f32 $0xffff, v13, v8  }
0xa5: {  	(xrf1) =	vsort.dscd.msk.f32 $0xffff, v14, v15;
	_ =	sdelay $0xa  }
0xa6: {  	v13 =	vld [tilespmem:s21+$0x30];
	_ =	sdelay $0x1  }
0xa7: {  	v14, v15, _ =	vpop (xrf1)  }
0xa8: {  	v16, v17, _ =	vpop (xrf1)  }
0xa9: {  	vm2 =	vge.f32 v16, v14  }
0xaa: {  	v14 =	vsel vm2, v16, v14;
	v15 =	vsel vm2, v17, v15;
	(xrf1) =	vsort.ascd.msk.f32 $0xffff, v13, v9  }
0xab: {  	(xrf1) =	vsort.dscd.msk.f32 $0xffff, v14, v15;
	_ =	sdelay $0xa  }
0xac: {  	v13 =	vld [tilespmem:s21+$0x40];
	_ =	sdelay $0x1  }
0xad: {  	v14, v15, _ =	vpop (xrf1)  }
0xae: {  	v16, v17, _ =	vpop (xrf1)  }
0xaf: {  	vm2 =	vge.f32 v16, v14  }
0xb0: {  	v14 =	vsel vm2, v16, v14;
	v15 =	vsel vm2, v17, v15;
	(xrf1) =	vsort.ascd.msk.f32 $0xffff, v13, v10  }
0xb1: {  	(xrf1) =	vsort.dscd.msk.f32 $0xffff, v14, v15;
	_ =	sdelay $0xa  }
0xb2: {  	v13 =	vld [tilespmem:s21+$0x50];
	_ =	sdelay $0x1  }
0xb3: {  	v14, v15, _ =	vpop (xrf1)  }
0xb4: {  	v16, v17, _ =	vpop (xrf1)  }
0xb5: {  	vm2 =	vge.f32 v16, v14  }
0xb6: {  	v14 =	vsel vm2, v16, v14;
	v15 =	vsel vm2, v17, v15;
	(xrf1) =	vsort.ascd.msk.f32 $0xffff, v13, v11  }
0xb7: {  	(xrf1) =	vsort.dscd.msk.f32 $0xffff, v14, v15;
	_ =	sdelay $0x5  }
0xb8: {  	s16 =	sadd.s32 $0x80, s16  }
0xb9: {  	v13 =	vld [tilespmem:s16+$0x0];
	_ =	sdelay $0x2  }
0xba: {  	v14 =	vld [tilespmem:s21+$0x60];
	_ =	sdelay $0x1  }
0xbb: {  	(xrf0) =	vmax.scan.msk.f32 $0xffff, v13  }
0xbc: {  	v15, v16, _ =	vpop (xrf1)  }
0xbd: {  	v17, v18, _ =	vpop (xrf1)  }
0xbe: {  	vm2 =	vge.f32 v17, v15;
	v14 =	vnsel vm1, $0xFF800000, v14  }
0xbf: {  	v15 =	vsel vm2, v17, v15;
	v16 =	vsel vm2, v18, v16;
	(xrf1) =	vsort.ascd.msk.f32 $0xffff, v14, v12  }
0xc0: {  	(xrf1) =	vsort.dscd.msk.f32 $0xffff, v15, v16  }
0xc1: {  	v14, _, _ =	vpop (xrf0)  }
0xc2: {  	v14 =	vbroadcast v14, $0xF;
	_ =	sdelay $0x1  }
0xc3: {  	v13 =	vsub.f32 v13, v14;
	_ =	sdelay $0x1  }
0xc4: {  	v13 =	vmul.f32 $1.442695020e+00, v13;
	_ =	sdelay $0x1  }
0xc5: {  	(erf) = vpow2.f32 v13;
	_ =	sdelay $0x4  }
0xc6: {  	v13, v14, _ =	vpop (xrf1)  }
0xc7: {  	v15, v16, _ =	vpop (xrf1)  }
0xc8: {  	vm2 =	vge.f32 v15, v13  }
0xc9: {  	v0 =	vsel vm2, v15, v13;
	v14 =	vsel vm2, v16, v14  }
0xca: {  	(xrf1) =	vsort.dscd.msk.f32 $0xffff, v0, v14;
	v13 =	vpop (erf)  }
0xcb: {  	(xrf2) =	vadd.scan.msk.f32 $0xffff, v13;
	_ =	sdelay $0x9  }
0xcc: {  	v14, _, _ =	vpop (xrf2)  }
0xcd: {  	v14 =	vbroadcast v14, $0xF;
	_ =	sdelay $0x1  }
0xce: {  	s19 =	sadd.s32 $0xC8, s19;
	_, v15, _ =	vpop (xrf1);
	(erf) = vrcp.f32 v14  }
0xcf: {  	v14 =	vadd.s32 s20, v15;
	v15 =	vadd.s32 s19, v15;
	s20 =	smov.u32 s22;
	_ =	sdelay $0x4  }
0xd0: {  	v14 =	vld.idx.msk [tilespmem:v14+s11+$0x0], $0xffff;
	_ =	sdelay $0x2  }
0xd1: {  	v16 =	vpop (erf)  }
0xd2: {  	v13 =	vmul.f32 v16, v13;
	_ =	sdelay $0x1  }
.Ltmp0:
0xd3: {  	v13 =	vmul.f32 v13, v14;
	(pc) =	sbr.rel @p0 .LBB2_2-.Ltmp0, $4  }
0xd4: {  	s17 =	sadd.s32 $0x800, s17;
	s18 =	sadd.s32 $0x80, s18;
	s21 =	sadd.s32 $0x100, s21  }
0xd5: {  	[tilespmem:s18+$0x0] =	vst v13;
	[tilespmem:s17], [sflag:$0x1] =	stream.indirect_vreg.gather [hbm4b:s2+s3], $0x80, v15, vm0, $0xb8  }
0xd6: {  	v13 =	vld [tilespmem:s21+$0xFFFFFFB0]  }
0xd7: {  	s22 =	sadd.s32 $0x100, s22;
	v14 =	vld [tilespmem:s21+$0xFFFFFFA0]  }
0xd8: {  	_ =	sdelay $0x2  }
0xd9: {  	(xrf1) =	vsort.ascd.msk.f32 $0xffff, v13, v1  }
0xda: {  	(xrf1) =	vsort.dscd.msk.f32 $0xffff, v14, v27;
	_ =	sdelay $0xa  }
0xdb: {  	v13 =	vld [tilespmem:s21+$0xFFFFFFC0];
	_ =	sdelay $0x1  }
0xdc: {  	v14, v15, _ =	vpop (xrf1)  }
0xdd: {  	v16, v17, _ =	vpop (xrf1)  }
0xde: {  	vm2 =	vge.f32 v16, v14  }
0xdf: {  	(xrf1) =	vsort.ascd.msk.f32 $0xffff, v13, v2;
	v14 =	vsel vm2, v16, v14;
	v15 =	vsel vm2, v17, v15  }
0xe0: {  	(xrf1) =	vsort.dscd.msk.f32 $0xffff, v14, v15;
	_ =	sdelay $0xa  }
0xe1: {  	v13 =	vld [tilespmem:s21+$0xFFFFFFD0];
	_ =	sdelay $0x1  }
0xe2: {  	v14, v15, _ =	vpop (xrf1)  }
0xe3: {  	v43, v44, _ =	vpop (xrf1)  }
0xe4: {  	vm2 =	vge.f32 v43, v14  }
0xe5: {  	(xrf1) =	vsort.ascd.msk.f32 $0xffff, v13, v3;
	v14 =	vsel vm2, v43, v14;
	v15 =	vsel vm2, v44, v15  }
0xe6: {  	(xrf1) =	vsort.dscd.msk.f32 $0xffff, v14, v15;
	_ =	sdelay $0xa  }
0xe7: {  	v13 =	vld [tilespmem:s21+$0xFFFFFFE0];
	_ =	sdelay $0x1  }
0xe8: {  	v14, v15, _ =	vpop (xrf1)  }
0xe9: {  	v45, v46, _ =	vpop (xrf1)  }
0xea: {  	vm2 =	vge.f32 v45, v14  }
0xeb: {  	(xrf1) =	vsort.ascd.msk.f32 $0xffff, v13, v4;
	v14 =	vsel vm2, v45, v14;
	v15 =	vsel vm2, v46, v15  }
0xec: {  	(xrf1) =	vsort.dscd.msk.f32 $0xffff, v14, v15;
	_ =	sdelay $0xa  }
0xed: {  	v13 =	vld [tilespmem:s21+$0xFFFFFFF0];
	_ =	sdelay $0x1  }
0xee: {  	v14, v15, _ =	vpop (xrf1)  }
0xef: {  	v47, v48, _ =	vpop (xrf1)  }
0xf0: {  	vm2 =	vge.f32 v47, v14  }
0xf1: {  	(xrf1) =	vsort.ascd.msk.f32 $0xffff, v13, v5;
	v14 =	vsel vm2, v47, v14;
	v15 =	vsel vm2, v48, v15  }
0xf2: {  	(xrf1) =	vsort.dscd.msk.f32 $0xffff, v14, v15;
	_ =	sdelay $0xa  }
0xf3: {  	v13 =	vld [tilespmem:s21+$0x0];
	_ =	sdelay $0x1  }
0xf4: {  	v14, v15, _ =	vpop (xrf1)  }
0xf5: {  	v49, v50, _ =	vpop (xrf1)  }
0xf6: {  	vm2 =	vge.f32 v49, v14  }
0xf7: {  	(xrf1) =	vsort.ascd.msk.f32 $0xffff, v13, v6;
	v14 =	vsel vm2, v49, v14;
	v15 =	vsel vm2, v50, v15  }
0xf8: {  	(xrf1) =	vsort.dscd.msk.f32 $0xffff, v14, v15;
	_ =	sdelay $0xa  }
0xf9: {  	v13 =	vld [tilespmem:s21+$0x10];
	_ =	sdelay $0x1  }
0xfa: {  	v14, v15, _ =	vpop (xrf1)  }
0xfb: {  	v51, v52, _ =	vpop (xrf1)  }
0xfc: {  	vm2 =	vge.f32 v51, v14  }
0xfd: {  	(xrf1) =	vsort.ascd.msk.f32 $0xffff, v13, v7;
	v14 =	vsel vm2, v51, v14;
	v15 =	vsel vm2, v52, v15  }
0xfe: {  	(xrf1) =	vsort.dscd.msk.f32 $0xffff, v14, v15;
	_ =	sdelay $0xa  }
0xff: {  	v13 =	vld [tilespmem:s21+$0x20];
	_ =	sdelay $0x1  }
0x100: {  	v14, v15, _ =	vpop (xrf1)  }
0x101: {  	v53, v54, _ =	vpop (xrf1)  }
0x102: {  	vm2 =	vge.f32 v53, v14  }
0x103: {  	(xrf1) =	vsort.ascd.msk.f32 $0xffff, v13, v8;
	v14 =	vsel vm2, v53, v14;
	v15 =	vsel vm2, v54, v15  }
0x104: {  	(xrf1) =	vsort.dscd.msk.f32 $0xffff, v14, v15;
	_ =	sdelay $0xa  }
0x105: {  	v13 =	vld [tilespmem:s21+$0x30];
	_ =	sdelay $0x1  }
0x106: {  	v14, v15, _ =	vpop (xrf1)  }
0x107: {  	v55, v56, _ =	vpop (xrf1)  }
0x108: {  	vm2 =	vge.f32 v55, v14  }
0x109: {  	(xrf1) =	vsort.ascd.msk.f32 $0xffff, v13, v9;
	v14 =	vsel vm2, v55, v14;
	v15 =	vsel vm2, v56, v15  }
0x10a: {  	(xrf1) =	vsort.dscd.msk.f32 $0xffff, v14, v15;
	_ =	sdelay $0xa  }
0x10b: {  	v13 =	vld [tilespmem:s21+$0x40];
	_ =	sdelay $0x1  }
0x10c: {  	v14, v15, _ =	vpop (xrf1)  }
0x10d: {  	v57, v58, _ =	vpop (xrf1)  }
0x10e: {  	vm2 =	vge.f32 v57, v14  }
0x10f: {  	(xrf1) =	vsort.ascd.msk.f32 $0xffff, v13, v10;
	v14 =	vsel vm2, v57, v14;
	v15 =	vsel vm2, v58, v15  }
0x110: {  	(xrf1) =	vsort.dscd.msk.f32 $0xffff, v14, v15;
	_ =	sdelay $0xa  }
0x111: {  	v13 =	vld [tilespmem:s21+$0x50];
	_ =	sdelay $0x1  }
0x112: {  	v14, v15, _ =	vpop (xrf1)  }
0x113: {  	v59, v60, _ =	vpop (xrf1)  }
0x114: {  	vm2 =	vge.f32 v59, v14  }
0x115: {  	(xrf1) =	vsort.ascd.msk.f32 $0xffff, v13, v11;
	v14 =	vsel vm2, v59, v14;
	v15 =	vsel vm2, v60, v15  }
0x116: {  	(xrf1) =	vsort.dscd.msk.f32 $0xffff, v14, v15;
	_ =	sdelay $0x7  }
0x117: {  	s16 =	sadd.s32 $0x80, s16  }
0x118: {  	v13 =	vld [tilespmem:s16+$0x0]  }
0x119: {  	v14 =	vld [tilespmem:s21+$0x60];
	_ =	sdelay $0x2  }
0x11a: {  	v15, v61, _ =	vpop (xrf1)  }
0x11b: {  	(xrf0) =	vmax.scan.msk.f32 $0xffff, v13;
	v62, v18, _ =	vpop (xrf1)  }
0x11c: {  	v14 =	vnsel vm1, $0xFF800000, v14;
	vm2 =	vge.f32 v62, v15  }
0x11d: {  	(xrf1) =	vsort.ascd.msk.f32 $0xffff, v14, v12;
	v15 =	vsel vm2, v62, v15;
	v16 =	vsel vm2, v18, v61  }
0x11e: {  	(xrf1) =	vsort.dscd.msk.f32 $0xffff, v15, v16;
	_ =	sdelay $0x2  }
0x11f: {  	v14, _, _ =	vpop (xrf0)  }
0x120: {  	v14 =	vbroadcast v14, $0xF;
	_ =	sdelay $0x1  }
0x121: {  	v13 =	vsub.f32 v13, v14;
	_ =	sdelay $0x1  }
0x122: {  	v13 =	vmul.f32 $1.442695020e+00, v13;
	_ =	sdelay $0x1  }
0x123: {  	(erf) = vpow2.f32 v13;
	_ =	sdelay $0x2  }
0x124: {  	v13, v14, _ =	vpop (xrf1)  }
0x125: {  	v15, v16, _ =	vpop (xrf1)  }
0x126: {  	vm2 =	vge.f32 v15, v13  }
0x127: {  	v13 =	vsel vm2, v15, v13;
	_ =	sdelay $0x1  }
0x128: {  	v14 =	vsel vm2, v16, v14  }
0x129: {  	(xrf1) =	vsort.dscd.msk.f32 $0xffff, v13, v14;
	v13 =	vpop (erf)  }
0x12a: {  	(xrf2) =	vadd.scan.msk.f32 $0xffff, v13;
	_ =	sdelay $0x9  }
0x12b: {  	v14, _, _ =	vpop (xrf2)  }
0x12c: {  	v14 =	vbroadcast v14, $0xF;
	_ =	sdelay $0x3  }
0x12d: {  	(erf) = vrcp.f32 v14  }
0x12e: {  	_, v14, _ =	vpop (xrf1)  }
0x12f: {  	v15 =	vadd.s32 s20, v14;
	_ =	sdelay $0x4  }
0x130: {  	v15 =	vld.idx.msk [tilespmem:v15+s11+$0x0], $0xffff;
	_ =	sdelay $0x1  }
0x131: {  	s30 =	sadd.s32 $0xC8, s19;
	v63 =	vpop (erf)  }
0x132: {  	v14 =	vadd.s32 s30, v14;
	v13 =	vmul.f32 v63, v13;
	_ =	sdelay $0x1  }
0x133: {  	v13 =	vmul.f32 v13, v15  }
0x134: {  	s31 =	sadd.s32 $0x80, s18  }
0x135: {  	s17 =	sadd.s32 $0x800, s17;
	[tilespmem:s31+$0x0] =	vst v13  }
0x136: {  	[tilespmem:s17], [sflag:$0x1] =	stream.indirect_vreg.gather [hbm4b:s2+s3], $0x80, v14, vm0, $0xb8;
	[tilespmem:$0x17000] =	vst v63  }
0x137: {  	_ =	swait.ge [sflag:s12], $0x10000  }
0x138: {  	s18 =	simm.s32 $0x6400;
	[sflag:s12] =	ssyncset.done $0x0  }
0x139: {  	s16 =	simm.s32 $0x0;
	s17 =	simm.s32 $0x16040;
	[sflag:s12] =	ssyncadd.s32 $0xFFFF0000  }
.LBB2_4:
0x13a: {  	v14 =	vld [tilespmem:s18+$0xFFFFFC00]  }
0x13b: {  	v19 =	vld [tilespmem:s18+$0xFFFFFC10]  }
0x13c: {  	v24 =	vld [tilespmem:s18+$0xFFFFFC20]  }
0x13d: {  	v25 =	vld [tilespmem:s18+$0xFFFFFC30]  }
0x13e: {  	v28 =	vld [tilespmem:s18+$0xFFFFFC40]  }
0x13f: {  	v29 =	vld [tilespmem:s18+$0xFFFFFC50]  }
0x140: {  	v33 =	vld [tilespmem:s18+$0xFFFFFC60]  }
0x141: {  	v35 =	vld [tilespmem:s18+$0xFFFFFC70]  }
0x142: {  	v36 =	vld [tilespmem:s18+$0xFFFFFC80]  }
0x143: {  	v39 =	vld [tilespmem:s18+$0xFFFFFC90]  }
0x144: {  	v40 =	vld [tilespmem:s18+$0xFFFFFCA0]  }
0x145: {  	v42 =	vld [tilespmem:s18+$0xFFFFFCB0]  }
0x146: {  	v43 =	vld [tilespmem:s18+$0xFFFFFCC0]  }
0x147: {  	v44 =	vld [tilespmem:s18+$0xFFFFFCD0]  }
0x148: {  	v45 =	vld [tilespmem:s18+$0xFFFFFCE0]  }
0x149: {  	v46 =	vld [tilespmem:s18+$0xFFFFFCF0]  }
0x14a: {  	v48 =	vld [tilespmem:s18+$0xFFFFFD00]  }
0x14b: {  	v49 =	vld [tilespmem:s18+$0xFFFFFD10]  }
0x14c: {  	v50 =	vld [tilespmem:s18+$0xFFFFFD20]  }
0x14d: {  	v51 =	vld [tilespmem:s18+$0xFFFFFD30]  }
0x14e: {  	v52 =	vld [tilespmem:s18+$0xFFFFFD40]  }
0x14f: {  	v53 =	vld [tilespmem:s18+$0xFFFFFD50]  }
0x150: {  	v54 =	vld [tilespmem:s18+$0xFFFFFD60]  }
0x151: {  	v55 =	vld [tilespmem:s18+$0xFFFFFD70]  }
0x152: {  	v57 =	vld [tilespmem:s18+$0xFFFFFD80]  }
0x153: {  	v58 =	vld [tilespmem:s18+$0xFFFFFD90]  }
0x154: {  	v59 =	vld [tilespmem:s18+$0xFFFFFDA0]  }
0x155: {  	v60 =	vld [tilespmem:s18+$0xFFFFFDB0]  }
0x156: {  	v61 =	vld [tilespmem:s18+$0xFFFFFDC0]  }
0x157: {  	v62 =	vld [tilespmem:s18+$0xFFFFFDD0]  }
0x158: {  	v63 =	vld [tilespmem:s18+$0xFFFFFDE0]  }
0x159: {  	v0 =	vld [tilespmem:s18+$0xFFFFFDF0]  }
0x15a: {  	v18 =	vld [tilespmem:s18+$0xFFFFFE00]  }
0x15b: {  	v20 =	vld [tilespmem:s18+$0xFFFFFE10]  }
0x15c: {  	v21 =	vld [tilespmem:s18+$0xFFFFFE20]  }
0x15d: {  	v22 =	vld [tilespmem:s18+$0xFFFFFE30]  }
0x15e: {  	s19 =	sshll.u32 s16, $0x7;
	v26 =	vld [tilespmem:s18+$0xFFFFFEC0]  }
0x15f: {  	v23 =	vld [tilespmem:s18+$0xFFFFFE40];
	v13 =	vmov s19  }
0x160: {  	v17 =	vld [tilespmem:s18+$0xFFFFFE50]  }
0x161: {  	v31 =	vld [tilespmem:s18+$0xFFFFFE60];
	v15 =	vor.u32 $0x1, v13  }
0x162: {  	v41 =	vld [tilespmem:s18+$0xFFFFFF50]  }
0x163: {  	[tilespmem:$0x1FF60] =	vst v26;
	v26 =	vld [tilespmem:s18+$0xFFFFFED0]  }
0x164: {  	v16 =	vld.idx.msk [tilespmem:v13+s13+$0x0], $0xffff  }
0x165: {  	v34 =	vld [tilespmem:s18+$0xFFFFFE70]  }
0x166: {  	v37 =	vld.idx.msk [tilespmem:v15+s13+$0x0], $0xffff;
	v15 =	vor.u32 $0x2, v13  }
0x167: {  	v32 =	vld [tilespmem:s18+$0xFFFFFF30]  }
0x168: {  	v38 =	vld [tilespmem:s18+$0xFFFFFF40];
	[tilespmem:$0x1FFF0] =	vst v41  }
0x169: {  	[tilespmem:$0x1FF70] =	vst v26;
	v26 =	vld [tilespmem:s18+$0xFFFFFEE0];
	v14 =	vmul.f32 v14, v16;
	v41 =	vmul.f32 v19, v16  }
0x16a: {  	v24 =	vmul.f32 v24, v16;
	v19 =	vld [tilespmem:s18+$0xFFFFFF60];
	v25 =	vmul.f32 v25, v16  }
0x16b: {  	[tilespmem:$0x1FF10] =	vst v34;
	v28 =	vmul.f32 v28, v16;
	v29 =	vmul.f32 v29, v16;
	v47 =	vld.idx.msk [tilespmem:v15+s13+$0x0], $0xffff  }
0x16c: {  	[tilespmem:$0x1FFD0] =	vst v32;
	v33 =	vmul.f32 v33, v16;
	v32 =	vmul.f32 v42, v37;
	v42 =	vld [tilespmem:s18+$0xFFFFFF90]  }
0x16d: {  	[tilespmem:$0x1FFE0] =	vst v38;
	v36 =	vmul.f32 v36, v37;
	v38 =	vadd.f32 $0.0e+00, v14;
	v34 =	vadd.f32 $0.0e+00, v24;
	v24 =	vld [tilespmem:s18+$0xFFFFFF80]  }
0x16e: {  	v16 =	vmul.f32 v35, v16;
	v15 =	vor.u32 $0x3, v13;
	v25 =	vadd.f32 $0.0e+00, v25;
	[tilespmem:$0x1FF80] =	vst v26;
	v26 =	vld [tilespmem:s18+$0xFFFFFEF0]  }
0x16f: {  	v39 =	vmul.f32 v39, v37;
	v41 =	vadd.f32 $0.0e+00, v41;
	v35 =	vadd.f32 v36, v38;
	v38 =	vld [tilespmem:s18+$0xFFFFFFA0]  }
0x170: {  	v40 =	vmul.f32 v40, v37;
	v33 =	vadd.f32 $0.0e+00, v33;
	v25 =	vadd.f32 v32, v25;
	v32 =	vld [tilespmem:s18+$0xFFFFFFB0]  }
0x171: {  	v43 =	vmul.f32 v43, v37;
	v41 =	vadd.f32 v39, v41;
	v39 =	vadd.f32 $0.0e+00, v28;
	v28 =	vld [tilespmem:s18+$0xFFFFFFC0]  }
0x172: {  	v45 =	vmul.f32 v45, v37;
	v34 =	vadd.f32 v40, v34;
	v40 =	vadd.f32 $0.0e+00, v29;
	v29 =	vld [tilespmem:s18+$0xFFFFFFD0]  }
0x173: {  	v44 =	vmul.f32 v44, v37;
	v56 =	vld.idx.msk [tilespmem:v15+s13+$0x0], $0xffff  }
0x174: {  	v33 =	vadd.f32 v45, v33;
	v43 =	vadd.f32 v43, v39;
	v39 =	vld [tilespmem:s18+$0xFFFFFFE0]  }
0x175: {  	v44 =	vadd.f32 v44, v40;
	v45 =	vmul.f32 v48, v47;
	v40 =	vld [tilespmem:s18+$0xFFFFFFF0];
	v48 =	vmul.f32 v50, v47  }
0x176: {  	v37 =	vmul.f32 v46, v37;
	v46 =	vmul.f32 v49, v47;
	v49 =	vld [tilespmem:s18+$0x0]  }
0x177: {  	v54 =	vmul.f32 v54, v47;
	v34 =	vadd.f32 v48, v34;
	v48 =	vld [tilespmem:s18+$0x10]  }
0x178: {  	v36 =	vor.u32 $0x8, v13;
	v35 =	vadd.f32 v45, v35;
	v45 =	vld [tilespmem:s18+$0x20]  }
0x179: {  	v53 =	vmul.f32 v53, v47;
	v33 =	vadd.f32 v54, v33;
	v54 =	vld [tilespmem:s18+$0x50]  }
0x17a: {  	v41 =	vadd.f32 v46, v41;
	v46 =	vmul.f32 v55, v47;
	v55 =	vld [tilespmem:s18+$0x70]  }
0x17b: {  	v16 =	vadd.f32 $0.0e+00, v16;
	v15 =	vor.u32 $0x4, v13;
	v44 =	vadd.f32 v53, v44;
	v53 =	vld [tilespmem:s18+$0xD0]  }
0x17c: {  	[tilespmem:$0x1FF90] =	vst v26;
	v26 =	vld [tilespmem:s18+$0xFFFFFF00]  }
0x17d: {  	v37 =	vadd.f32 v37, v16;
	v50 =	vor.u32 $0x9, v13;
	v16 =	vld.idx.msk [tilespmem:v36+s13+$0x0], $0xffff  }
0x17e: {  	v52 =	vmul.f32 v52, v47;
	v36 =	vmul.f32 v51, v47;
	v47 =	vld [tilespmem:s18+$0x30]  }
0x17f: {  	v51 =	vld [tilespmem:s18+$0x60]  }
0x180: {  	v30 =	vld.idx.msk [tilespmem:v15+s13+$0x0], $0xffff;
	v25 =	vadd.f32 v36, v25  }
0x181: {  	v36 =	vadd.f32 v52, v43;
	v43 =	vmul.f32 v57, v56;
	v57 =	vmul.f32 v58, v56;
	v52 =	vld [tilespmem:s18+$0x40]  }
0x182: {  	v46 =	vadd.f32 v46, v37;
	v58 =	vmul.f32 v59, v56;
	v59 =	vmul.f32 v60, v56;
	v37 =	vld.idx.msk [tilespmem:v50+s13+$0x0], $0xffff  }
0x183: {  	v15 =	vor.u32 $0x5, v13;
	v60 =	vmul.f32 v61, v56;
	v61 =	vmul.f32 v62, v56;
	v50 =	vld [tilespmem:s18+$0x80]  }
0x184: {  	v62 =	vmul.f32 v63, v56;
	v0 =	vmul.f32 v0, v56;
	v56 =	vld [tilespmem:$0x1FF10]  }
0x185: {  	v35 =	vadd.f32 v43, v35;
	v43 =	vld [tilespmem:s18+$0x90]  }
0x186: {  	v0 =	vadd.f32 v0, v46;
	v46 =	vld [tilespmem:s18+$0xC0]  }
0x187: {  	v44 =	vadd.f32 v61, v44;
	v61 =	vld [tilespmem:$0x1FF60]  }
0x188: {  	[tilespmem:$0x1FF00] =	vst v17;
	v17 =	vld.idx.msk [tilespmem:v15+s13+$0x0], $0xffff  }
0x189: {  	v15 =	vld [tilespmem:s18+$0xFFFFFE80]  }
0x18a: {  	v33 =	vadd.f32 v62, v33;
	v62 =	vld [tilespmem:$0x1FF70];
	v18 =	vmul.f32 v18, v30  }
0x18b: {  	v63 =	vor.u32 $0xA, v13;
	v34 =	vadd.f32 v58, v34;
	[tilespmem:$0x1FFA0] =	vst v26;
	v26 =	vld [tilespmem:s18+$0xFFFFFF10];
	v21 =	vmul.f32 v21, v30  }
0x18c: {  	v18 =	vadd.f32 v18, v35;
	v35 =	vld [tilespmem:s18+$0xA0]  }
0x18d: {  	v25 =	vadd.f32 v59, v25;
	v22 =	vmul.f32 v22, v30;
	v21 =	vadd.f32 v21, v34;
	v34 =	vld [tilespmem:s18+$0xB0]  }
0x18e: {  	v41 =	vadd.f32 v57, v41;
	v20 =	vmul.f32 v20, v30;
	[tilespmem:$0x1FF20] =	vst v15;
	v15 =	vld [tilespmem:s18+$0xFFFFFE90]  }
0x18f: {  	v22 =	vadd.f32 v22, v25;
	v25 =	vld [tilespmem:$0x1FF00]  }
0x190: {  	v20 =	vadd.f32 v20, v41;
	v41 =	vld.idx.msk [tilespmem:v63+s13+$0x0], $0xffff  }
0x191: {  	v63 =	vld [tilespmem:$0x1FF80]  }
0x192: {  	[tilespmem:$0x1FFB0] =	vst v26;
	v26 =	vld [tilespmem:s18+$0xFFFFFF20]  }
0x193: {  	v36 =	vadd.f32 v60, v36;
	v23 =	vmul.f32 v23, v30;
	[tilespmem:$0x1FF30] =	vst v15;
	v15 =	vld [tilespmem:s18+$0xFFFFFEA0]  }
0x194: {  	v31 =	vmul.f32 v31, v30;
	v57 =	vld [tilespmem:$0x1FF20];
	v25 =	vmul.f32 v25, v30  }
0x195: {  	v23 =	vadd.f32 v23, v36;
	v30 =	vmul.f32 v56, v30;
	v56 =	vmul.f32 v61, v17;
	v61 =	vld [tilespmem:$0x1FFB0]  }
0x196: {  	v25 =	vadd.f32 v25, v44;
	v44 =	vld [tilespmem:s18+$0xE0]  }
0x197: {  	[tilespmem:$0x1FFC0] =	vst v26;
	v26 =	vor.u32 $0x7, v13;
	v23 =	vadd.f32 v56, v23;
	v56 =	vld [tilespmem:s18+$0x120]  }
0x198: {  	[tilespmem:$0x1FF40] =	vst v15;
	v15 =	vld [tilespmem:s18+$0xFFFFFEB0]  }
0x199: {  	v58 =	vld [tilespmem:$0x1FF30]  }
0x19a: {  	v36 =	vmul.f32 v57, v17;
	v57 =	vmul.f32 v63, v17;
	v63 =	vld [tilespmem:$0x1FFE0]  }
0x19b: {  	v59 =	vld [tilespmem:$0x1FF40]  }
0x19c: {  	v14 =	vld.idx.msk [tilespmem:v26+s13+$0x0], $0xffff  }
0x19d: {  	v26 =	vld [tilespmem:s18+$0xFFFFFF70];
	[tilespmem:$0x1FF50] =	vst v15;
	v15 =	vor.u32 $0x6, v13  }
0x19e: {  	v60 =	vld [tilespmem:$0x1FF50]  }
0x19f: {  	v31 =	vadd.f32 v31, v33;
	v18 =	vadd.f32 v36, v18;
	v36 =	vld [tilespmem:s18+$0xF0]  }
0x1a0: {  	v0 =	vadd.f32 v30, v0;
	v33 =	vmul.f32 v58, v17;
	v30 =	vmul.f32 v59, v17;
	v59 =	vld [tilespmem:$0x1FF90]  }
0x1a1: {  	v58 =	vld [tilespmem:s18+$0x100]  }
0x1a2: {  	v20 =	vadd.f32 v33, v20;
	v15 =	vld.idx.msk [tilespmem:v15+s13+$0x0], $0xffff  }
0x1a3: {  	v21 =	vadd.f32 v30, v21;
	v30 =	vmul.f32 v62, v17;
	v33 =	vmul.f32 v60, v17;
	v60 =	vld [tilespmem:$0x1FFA0]  }
0x1a4: {  	v62 =	vld [tilespmem:$0x1FFC0]  }
0x1a5: {  	v25 =	vadd.f32 v30, v25;
	v30 =	vadd.f32 v57, v31;
	v57 =	vld [tilespmem:s18+$0x130];
	v17 =	vmul.f32 v59, v17  }
0x1a6: {  	v59 =	vor.u32 $0xB, v13;
	v22 =	vadd.f32 v33, v22;
	v33 =	vld [tilespmem:s18+$0x110]  }
0x1a7: {  	v0 =	vadd.f32 v17, v0;
	v17 =	vmul.f32 v61, v15;
	v61 =	vld [tilespmem:s18+$0x140]  }
0x1a8: {  	v31 =	vmul.f32 v60, v15;
	v60 =	vld [tilespmem:$0x1FFD0]  }
0x1a9: {  	v19 =	vmul.f32 v19, v15;
	v17 =	vadd.f32 v17, v20;
	v20 =	vmul.f32 v63, v15;
	v63 =	vld [tilespmem:s18+$0x150]  }
0x1aa: {  	v24 =	vmul.f32 v24, v14;
	v18 =	vadd.f32 v31, v18;
	v31 =	vmul.f32 v62, v15;
	v62 =	vld [tilespmem:$0x1FFF0]  }
0x1ab: {  	v19 =	vadd.f32 v19, v30;
	v30 =	vld.idx.msk [tilespmem:v59+s13+$0x0], $0xffff;
	v59 =	vmul.f32 v47, v16  }
0x1ac: {  	v47 =	vld [tilespmem:s18+$0x200];
	v20 =	vadd.f32 v20, v23;
	v18 =	vadd.f32 v24, v18;
	v24 =	vmul.f32 v28, v14  }
0x1ad: {  	v32 =	vmul.f32 v32, v14;
	v36 =	vmul.f32 v36, v37;
	v23 =	vld [tilespmem:s18+$0x1E0];
	v21 =	vadd.f32 v31, v21  }
0x1ae: {  	v31 =	vld [tilespmem:s18+$0x160];
	v60 =	vmul.f32 v60, v15;
	v20 =	vadd.f32 v24, v20;
	v24 =	vmul.f32 v39, v14  }
0x1af: {  	v28 =	vld [tilespmem:s18+$0x1A0];
	v63 =	vmul.f32 v63, v41;
	v62 =	vmul.f32 v62, v15  }
0x1b0: {  	v39 =	vld [tilespmem:s18+$0x1C0];
	v22 =	vadd.f32 v60, v22;
	v15 =	vmul.f32 v26, v15;
	v26 =	vmul.f32 v42, v14  }
0x1b1: {  	v60 =	vmul.f32 v29, v14;
	v29 =	vld [tilespmem:s18+$0x1B0];
	v19 =	vadd.f32 v24, v19;
	v24 =	vmul.f32 v48, v16  }
0x1b2: {  	v42 =	vld [tilespmem:s18+$0x1D0];
	v48 =	vmul.f32 v35, v37;
	v0 =	vadd.f32 v15, v0;
	v15 =	vmul.f32 v38, v14  }
0x1b3: {  	v23 =	vmul.f32 v23, v30;
	v62 =	vadd.f32 v62, v25;
	v25 =	vld [tilespmem:s18+$0x170];
	v17 =	vadd.f32 v26, v17  }
0x1b4: {  	v38 =	vld [tilespmem:s18+$0x180];
	v14 =	vmul.f32 v40, v14;
	v15 =	vadd.f32 v15, v21;
	v21 =	vadd.f32 v32, v22  }
0x1b5: {  	v26 =	vld [tilespmem:s18+$0x190];
	v32 =	vor.u32 $0xC, v13;
	v22 =	vadd.f32 v60, v62;
	v62 =	vmul.f32 v49, v16  }
0x1b6: {  	v40 =	vld [tilespmem:s18+$0x1F0];
	v49 =	vmul.f32 v45, v16;
	v17 =	vadd.f32 v24, v17;
	v24 =	vmul.f32 v52, v16  }
0x1b7: {  	v0 =	vadd.f32 v14, v0;
	v60 =	vmul.f32 v54, v16;
	v45 =	vmul.f32 v43, v37;
	v43 =	vld [tilespmem:s18+$0x210]  }
0x1b8: {  	v52 =	vmul.f32 v53, v37;
	v53 =	vmul.f32 v44, v37;
	v44 =	vld [tilespmem:s18+$0x260];
	v14 =	vadd.f32 v62, v18  }
0x1b9: {  	v15 =	vadd.f32 v49, v15;
	v18 =	vadd.f32 v59, v21;
	v49 =	vmul.f32 v34, v37;
	v34 =	vld [tilespmem:s18+$0x230]  }
0x1ba: {  	v62 =	vmul.f32 v51, v16;
	v20 =	vadd.f32 v24, v20;
	v51 =	vmul.f32 v46, v37;
	v46 =	vld [tilespmem:s18+$0x240]  }
0x1bb: {  	v16 =	vmul.f32 v55, v16;
	v24 =	vmul.f32 v50, v37;
	v21 =	vadd.f32 v60, v22;
	v37 =	vld [tilespmem:s18+$0x250]  }
0x1bc: {  	v17 =	vadd.f32 v45, v17;
	v55 =	vmul.f32 v58, v41;
	v58 =	vmul.f32 v33, v41;
	v33 =	vld [tilespmem:s18+$0x270]  }
0x1bd: {  	v50 =	vor.u32 $0xD, v13;
	v59 =	vmul.f32 v56, v41;
	v14 =	vadd.f32 v24, v14;
	v24 =	vld [tilespmem:s18+$0x220]  }
0x1be: {  	v60 =	vmul.f32 v57, v41;
	v45 =	vmul.f32 v31, v41;
	v15 =	vadd.f32 v48, v15;
	v48 =	vld [tilespmem:s18+$0x280]  }
0x1bf: {  	v25 =	vmul.f32 v25, v41;
	v19 =	vadd.f32 v62, v19;
	v54 =	vadd.f32 v52, v21;
	v21 =	vld [tilespmem:s18+$0x290]  }
0x1c0: {  	v56 =	vmul.f32 v40, v30;
	v0 =	vadd.f32 v16, v0;
	v18 =	vadd.f32 v49, v18;
	v49 =	vld [tilespmem:s18+$0x2A0]  }
0x1c1: {  	v16 =	vadd.f32 v51, v20;
	v17 =	vadd.f32 v58, v17;
	v62 =	vmul.f32 v61, v41;
	v51 =	vld [tilespmem:s18+$0x2B0]  }
0x1c2: {  	v52 =	vor.u32 $0xE, v13;
	v61 =	vld [tilespmem:s18+$0x320];
	v19 =	vadd.f32 v53, v19;
	v0 =	vadd.f32 v36, v0  }
0x1c3: {  	v13 =	vor.u32 $0xF, v13;
	v32 =	vld.idx.msk [tilespmem:v32+s13+$0x0], $0xffff;
	v14 =	vadd.f32 v55, v14;
	v15 =	vadd.f32 v59, v15  }
0x1c4: {  	v18 =	vadd.f32 v60, v18;
	v53 =	vmul.f32 v26, v30;
	v26 =	vmul.f32 v28, v30;
	v28 =	vld [tilespmem:s18+$0x2C0]  }
0x1c5: {  	v16 =	vadd.f32 v62, v16;
	v20 =	vadd.f32 v63, v54;
	v54 =	vmul.f32 v39, v30;
	v55 =	vld [tilespmem:s18+$0x2F0]  }
0x1c6: {  	v59 =	vld [tilespmem:s18+$0x310];
	v19 =	vadd.f32 v45, v19;
	v0 =	vadd.f32 v25, v0;
	v25 =	vmul.f32 v29, v30  }
0x1c7: {  	v35 =	vld.idx.msk [tilespmem:v50+s13+$0x0], $0xffff;
	v50 =	vmul.f32 v38, v30;
	v17 =	vadd.f32 v53, v17;
	v15 =	vadd.f32 v26, v15  }
0x1c8: {  	v63 =	vld [tilespmem:s18+$0x330];
	v16 =	vadd.f32 v54, v16;
	v18 =	vadd.f32 v25, v18;
	v25 =	vmul.f32 v42, v30  }
0x1c9: {  	v29 =	vld [tilespmem:s18+$0x2D0];
	v14 =	vadd.f32 v50, v14;
	v57 =	vmul.f32 v47, v32;
	v58 =	vmul.f32 v43, v32  }
0x1ca: {  	v26 =	vld [tilespmem:s18+$0x2E0];
	v19 =	vadd.f32 v23, v19;
	v60 =	vmul.f32 v24, v32;
	v24 =	vmul.f32 v34, v32  }
0x1cb: {  	v45 =	vld [tilespmem:s18+$0x360];
	v0 =	vadd.f32 v56, v0;
	v62 =	vmul.f32 v46, v32;
	v37 =	vmul.f32 v37, v32  }
0x1cc: {  	v54 =	vld [tilespmem:s18+$0x3C0];
	v42 =	vmul.f32 v44, v32;
	v20 =	vadd.f32 v25, v20;
	v14 =	vadd.f32 v57, v14  }
0x1cd: {  	v39 =	vld.idx.msk [tilespmem:v52+s13+$0x0], $0xffff;
	v32 =	vmul.f32 v33, v32;
	v17 =	vadd.f32 v58, v17;
	v15 =	vadd.f32 v60, v15  }
0x1ce: {  	v13 =	vld.idx.msk [tilespmem:v13+s13+$0x0], $0xffff;
	v18 =	vadd.f32 v24, v18;
	v16 =	vadd.f32 v62, v16;
	v44 =	vmul.f32 v48, v35  }
0x1cf: {  	v43 =	vld [tilespmem:s18+$0x350];
	v19 =	vadd.f32 v42, v19;
	v21 =	vmul.f32 v21, v35;
	v31 =	vmul.f32 v49, v35  }
0x1d0: {  	v25 =	vld [tilespmem:s18+$0x300];
	v0 =	vadd.f32 v32, v0;
	v46 =	vmul.f32 v51, v35;
	v48 =	vmul.f32 v28, v35  }
0x1d1: {  	v24 =	vld [tilespmem:s18+$0x340];
	v49 =	vmul.f32 v29, v35;
	v50 =	vmul.f32 v26, v35;
	v20 =	vadd.f32 v37, v20  }
0x1d2: {  	v28 =	vld [tilespmem:s18+$0x380];
	v26 =	vmul.f32 v55, v35;
	v14 =	vadd.f32 v44, v14;
	v17 =	vadd.f32 v21, v17  }
0x1d3: {  	v29 =	vld [tilespmem:s18+$0x390];
	v15 =	vadd.f32 v31, v15;
	v18 =	vadd.f32 v46, v18;
	v22 =	vmul.f32 v59, v39  }
0x1d4: {  	v47 =	vld [tilespmem:s18+$0x370];
	v16 =	vadd.f32 v48, v16;
	v52 =	vmul.f32 v61, v39;
	v53 =	vmul.f32 v63, v39  }
0x1d5: {  	v60 =	vmul.f32 v54, v13;
	v19 =	vadd.f32 v50, v19;
	v51 =	vmul.f32 v25, v39;
	v25 =	vld [tilespmem:s18+$0x3A0]  }
0x1d6: {  	v0 =	vadd.f32 v26, v0;
	v26 =	vld [tilespmem:s18+$0x3B0];
	v56 =	vmul.f32 v43, v39;
	v20 =	vadd.f32 v49, v20  }
0x1d7: {  	v55 =	vmul.f32 v24, v39;
	v24 =	vmul.f32 v28, v13;
	v28 =	vld [tilespmem:s18+$0x3D0];
	v14 =	vadd.f32 v51, v14  }
0x1d8: {  	v57 =	vld [tilespmem:s18+$0x3E0];
	v17 =	vadd.f32 v22, v17;
	v15 =	vadd.f32 v52, v15;
	v29 =	vmul.f32 v29, v13  }
0x1d9: {  	v61 =	vmul.f32 v47, v39;
	v16 =	vadd.f32 v55, v16;
	v14 =	vadd.f32 v24, v14;
	v24 =	vld [tilespmem:s18+$0x3F0]  }
0x1da: {  	v18 =	vadd.f32 v53, v18;
	v17 =	vadd.f32 v29, v17;
	v58 =	vmul.f32 v25, v13  }
0x1db: {  	v59 =	vmul.f32 v26, v13;
	v16 =	vadd.f32 v60, v16;
	[tilespmem:s17+$0xFFFFFFC0] =	vst v14;
	v14 =	vmul.f32 v45, v39  }
0x1dc: {  	v20 =	vadd.f32 v56, v20;
	[tilespmem:s17+$0xFFFFFFD0] =	vst v17;
	v62 =	vmul.f32 v28, v13;
	v15 =	vadd.f32 v58, v15  }
0x1dd: {  	p0 =	sne.s32 s16, $0x1F;
	v63 =	vmul.f32 v57, v13;
	v18 =	vadd.f32 v59, v18;
	[tilespmem:s17+$0x0] =	vst v16;
	v14 =	vadd.f32 v14, v19  }
.Ltmp1:
0x1de: {  	v0 =	vadd.f32 v61, v0;
	[tilespmem:s17+$0xFFFFFFE0] =	vst v15;
	v15 =	vadd.f32 v62, v20;
	v13 =	vmul.f32 v24, v13;
	(pc) =	sbr.rel @p0 .LBB2_4-.Ltmp1, $4  }
0x1df: {  	[tilespmem:s17+$0xFFFFFFF0] =	vst v18;
	v14 =	vadd.f32 v63, v14  }
0x1e0: {  	v0 =	vadd.f32 v13, v0;
	[tilespmem:s17+$0x10] =	vst v15  }
0x1e1: {  	[tilespmem:s17+$0x20] =	vst v14  }
0x1e2: {  	s16 =	sadd.s32 $0x1, s16;
	s18 =	sadd.s32 $0x800, s18;
	[tilespmem:s17+$0x30] =	vst v0;
	s17 =	sadd.s32 $0x80, s17  }
0x1e3: {  	s15 =	sadd.s32 $0x1, s15  }
0x1e4: {  	p0 =	sne.s32 s15, s8  }
.Ltmp2:
0x1e5: {  	_ = 	snop;
	(pc) =	sbr.rel @p0 .LBB2_1-.Ltmp2, $4  }
0x1e6: {  	[hbm4b:s7+s3] =	stream.linear.scatter [tilespmem:s14], [sflag:$0x2], $0x1000, $0x38;
	[tilespmem:$0x17000] =	vst v63  }
0x1e7: {  	_ =	swait.ge [sflag:s10], $0x1000  }
0x1e8: {  	[sflag:s10] =	ssyncset.done $0x0  }
0x1e9: {  	[sflag:s10] =	ssyncadd.s32 $0xFFFFF000  }
0x1ea: {  	_ =	sfence.sel $0x180000  }
0x1eb: {  	[bflag:$0x0] =	sbarrier.arrive $0xFFFF  }
0x1ec: {  	p0 =	sne.s32 s0, $0x0;
	_ =	strace $0x90000047  }
0x1ed: {  	s0 =	sadd.s32 @!p0 $0x100000, s1;
	[bflag:$0x2] =	sbarrier.arrive $0xFFFF  }
0x1ee: {  	[sflag:s0] =	ssyncadd.tile.s32 @!p0 $0x1;
	_ =	shalt  }
.Lfunc_end2:
_tile_overlayer_lowered:
.L_overlay_start_2:
0x1ef: {  	(tag) =	ssettag $0x2  }
0x1f0: {  	s0 =	rddreg [dreg:$0x0];
	s2 =	stileid.u32  }
0x1f1: {  	s1 =	rddreg [dreg:$0x1];
	p0 =	sne.s32 s2, $0x0  }
0x1f2: {  	s3 =	rddreg [dreg:$0x2];
	[bflag:$0x3] =	sbarrier.arrive $0xFFFF;
	s2 =	simm.s32 @!p0 $0x1C02  }
0x1f3: {  	[timem:s3], [sflag:s2] =	dma.local @!p0 [hbm:s0], s1  }
0x1f4: {  	s0 =	simm.s32 @!p0 $0x2  }
0x1f5: {  	_ =	swait.ge @!p0 [sflag:s0], s1  }
0x1f6: {  	s1 =	ssub.s32 @!p0 $0x0, s1;
	[sflag:s0] =	ssyncset.done @!p0 $0x0  }
0x1f7: {  	[sflag:s0] =	ssyncadd.s32 @!p0 s1  }
0x1f8: {  	[bflag:$0x3] =	sbarrier.arrive $0xFFFF  }
0x1f9: {  	_ =	shalt  }

</sc_bundles>
